<compile_context>
chip_gen: v7x
topology: tpu7x:2x2x1
jax: 0.10.2.dev20260603
libtpu: 0.0.44.dev20260713+nightly
codegen_flags: <defaults>
</compile_context>

<pallas_src>
import functools

import jax
import jax.numpy as jnp
from jax import lax
from jax.experimental import pallas as pl
from jax.experimental.pallas import tpu as pltpu
from jax.experimental.pallas import tpu_sc as plsc

VOCAB = 100000
DIM = 128
BATCH = 16384

NC, NS = 2, 16
NW = NC * NS
BPW = BATCH // NW
CHUNK = 64
NCHUNK = BPW // CHUNK
NSLOT = 2
NLANE = 16
NVEC = DIM // NLANE


def _body(w_in_hbm, w_out_hbm, idx_in_hbm, idx_out_hbm, out_hbm,
          idx_in_v, idx_out_v, rows, prods_v, out_v, sems, idx_sems,
          out_sem):
    wid = lax.axis_index("s") * NC + lax.axis_index("c")
    base = wid * BPW
    lane = lax.iota(jnp.int32, NLANE)
    zeros = jnp.zeros((NLANE,), jnp.int32)

    head = NSLOT * CHUNK
    di = pltpu.async_copy(idx_in_hbm.at[pl.ds(base, head)],
                          idx_in_v.at[pl.ds(0, head)], idx_sems[0])
    do = pltpu.async_copy(idx_out_hbm.at[pl.ds(base, head)],
                          idx_out_v.at[pl.ds(0, head)], idx_sems[1])
    di.wait()
    do.wait()

    rows_in_v, rows_out_v = rows

    def issue(c, s):
        pltpu.async_copy(
            w_in_hbm.at[idx_in_v.at[pl.ds(c * CHUNK, CHUNK)]],
            rows_in_v.at[s], sems.at[s])
        pltpu.async_copy(
            w_out_hbm.at[idx_out_v.at[pl.ds(c * CHUNK, CHUNK)]],
            rows_out_v.at[s], sems.at[s])

    issue(0, 0)
    issue(1, 1)

    di2 = pltpu.async_copy(idx_in_hbm.at[pl.ds(base + head, BPW - head)],
                           idx_in_v.at[pl.ds(head, BPW - head)], idx_sems[0])
    do2 = pltpu.async_copy(idx_out_hbm.at[pl.ds(base + head, BPW - head)],
                           idx_out_v.at[pl.ds(head, BPW - head)], idx_sems[1])
    di2.wait()
    do2.wait()

    def chunk_body(c, carry):
        s = c % NSLOT
        pltpu.make_async_copy(
            w_in_hbm.at[idx_in_v.at[pl.ds(0, CHUNK)]],
            rows_in_v.at[0], sems.at[s]).wait()
        pltpu.make_async_copy(
            w_out_hbm.at[idx_out_v.at[pl.ds(0, CHUNK)]],
            rows_out_v.at[0], sems.at[s]).wait()

        def group(g, carry2):
            base_p = g * NLANE

            @plsc.parallel_loop(0, NLANE, unroll=2)
            def _pair(p):
                pair = base_p + p
                acc = (rows_in_v[s, pair, pl.ds(0, NLANE)]
                       * rows_out_v[s, pair, pl.ds(0, NLANE)])
                for j in range(1, NVEC):
                    acc = acc + (rows_in_v[s, pair, pl.ds(j * NLANE, NLANE)]
                                 * rows_out_v[s, pair, pl.ds(j * NLANE, NLANE)])
                prods_v[p, :] = acc
            cols = [plsc.load_gather(
                prods_v, [lane, jnp.full((NLANE,), j, jnp.int32)])
                for j in range(NLANE)]
            while len(cols) > 1:
                cols = [a + b for a, b in zip(cols[::2], cols[1::2])]
            out_v[pl.ds(c * CHUNK + base_p, NLANE)] = cols[0]
            return carry2

        lax.fori_loop(0, CHUNK // NLANE, group, 0)

        @pl.when(c + NSLOT < NCHUNK)
        def _():
            issue(c + NSLOT, s)

        pltpu.async_copy(out_v.at[pl.ds(c * CHUNK, CHUNK)],
                         out_hbm.at[pl.ds(base + c * CHUNK, CHUNK)],
                         out_sem)

        return carry

    lax.fori_loop(0, NCHUNK, chunk_body, 0)

    pltpu.make_async_copy(out_v, out_hbm.at[pl.ds(base, BPW)],
                          out_sem).wait()


@functools.partial(
    pl.kernel,
    out_type=jax.ShapeDtypeStruct((BATCH,), jnp.float32),
    mesh=plsc.VectorSubcoreMesh(core_axis_name="c", subcore_axis_name="s"),
    compiler_params=pltpu.CompilerParams(needs_layout_passes=False),
    scratch_types=[
        pltpu.VMEM((BPW,), jnp.int32),
        pltpu.VMEM((BPW,), jnp.int32),
        pltpu.VMEM((NSLOT, CHUNK, DIM), jnp.float32),
        pltpu.VMEM((NSLOT, CHUNK, DIM), jnp.float32),
        pltpu.VMEM((NLANE, NLANE), jnp.float32),
        pltpu.VMEM((BPW,), jnp.float32),
        pltpu.SemaphoreType.DMA((NSLOT,)),
        pltpu.SemaphoreType.DMA,
        pltpu.SemaphoreType.DMA,
        pltpu.SemaphoreType.DMA,
    ],
)
def _sc_dot(w_in_hbm, w_out_hbm, idx_in_hbm, idx_out_hbm, out_hbm,
            idx_in_v, idx_out_v,
            rows_in3, rows_out3,
            prods_v, out_v, sem_ring, sem_2, sem_3, sem_4):
    _body(w_in_hbm, w_out_hbm, idx_in_hbm, idx_out_hbm, out_hbm,
          idx_in_v, idx_out_v,
          (rows_in3, rows_out3),
          prods_v, out_v, sem_ring, (sem_2, sem_3), sem_4)


def kernel(x, W_in, W_out):
    idx_in = x[:, 0].astype(jnp.int32)
    idx_out = x[:, 1].astype(jnp.int32)
    return _sc_dot(W_in, W_out, idx_in, idx_out)

# --- scband reference (transcript-rebuilt; emitter-appended) ---
"""Pipeline reference for scband-word2-vec-22093311771411 (READ-ONLY COPY).

The authoritative reference and input builder live on the scoring server;
editing this copy changes nothing except your own understanding.
"""

import jax, jax.numpy as jnp
import numpy as np

VOCAB = 100000
DIM = 128
BATCH = 16384

def setup_inputs(seed: int = 0) -> dict:
    key = jax.random.key(seed)
    k_x, k_in, k_out = jax.random.split(key, 3)
    x = jax.random.randint(k_x, (BATCH, 2), 0, VOCAB, dtype=jnp.int64) if jax.config.jax_enable_x64 else jax.random.randint(k_x, (BATCH, 2), 0, VOCAB, dtype=jnp.int32)
    W_in = jax.random.normal(k_in, (VOCAB, DIM), dtype=jnp.float32)
    W_out = jax.random.normal(k_out, (VOCAB, DIM), dtype=jnp.float32)
    return {"x": x, "W_in": W_in, "W_out": W_out}

def reference(x, W_in, W_out):
    # x.T[0] == x[:, 0] (center word indices); x.T[1] == x[:, 1] (context word indices)
    embed_input = jnp.take(W_in, x[:, 0], axis=0)   # [B, D] gather from input embedding table
    embed_output = jnp.take(W_out, x[:, 1], axis=0) # [B, D] gather from output embedding table
    return (embed_input * embed_output).sum(axis=1)  # [B] per-pair dot product

if __name__ == "__main__":
    import jax
    _d = setup_inputs()
    print(jax.jit(kernel)(*tuple(_d.values())))

</pallas_src>

<mosaic_0001>
#map = affine_map<(d0, d1) -> (0, 0)>
#map1 = affine_map<(d0, d1) -> (0)>
module attributes {stable_mosaic.version = 14 : i64} {
  func.func @_sc_dot(%arg0: i32, %arg1: i32, %arg2: memref<100000x128xf32, #tpu.memory_space<hbm>>, %arg3: memref<100000x128xf32, #tpu.memory_space<hbm>>, %arg4: memref<16384xi32, #tpu.memory_space<hbm>>, %arg5: memref<16384xi32, #tpu.memory_space<hbm>>, %arg6: memref<16384xf32, #tpu.memory_space<hbm>>, %arg7: memref<512xi32, #tpu.memory_space<vmem>>, %arg8: memref<512xi32, #tpu.memory_space<vmem>>, %arg9: memref<2x64x128xf32, #tpu.memory_space<vmem>>, %arg10: memref<2x64x128xf32, #tpu.memory_space<vmem>>, %arg11: memref<16x16xf32, #tpu.memory_space<vmem>>, %arg12: memref<512xf32, #tpu.memory_space<vmem>>, %arg13: memref<2x!tpu.dma_semaphore, #tpu.memory_space<semaphore_mem>>, %arg14: memref<!tpu.dma_semaphore, #tpu.memory_space<semaphore_mem>>, %arg15: memref<!tpu.dma_semaphore, #tpu.memory_space<semaphore_mem>>, %arg16: memref<!tpu.dma_semaphore, #tpu.memory_space<semaphore_mem>>) attributes {dimension_semantics = [#tpu.dimension_semantics<core_parallel>, #tpu.dimension_semantics<subcore_parallel>], iteration_bounds = array<i64: 2, 16>, scalar_prefetch = 0 : i64, scratch_operands = 10 : i64, tpu.core_type = #tpu.core_type<sc_vector_subcore>, window_params = [{transform_indices = #map}, {transform_indices = #map}, {transform_indices = #map1}, {transform_indices = #map1}, {transform_indices = #map1}]} {
    %mul3A = arith.constant 2 : i32
    %mul3A_0 = arith.muli %arg1, %mul3A : i32
    %add3A = arith.addi %mul3A_0, %arg0 : i32
    %mul3A_1 = arith.constant 512 : i32
    %mul3A_2 = arith.muli %add3A, %mul3A_1 : i32
    %iota3A = tpu.iota {dimensions = array<i32: 0>} : vector<16xi32>
    %broadcast_in_dim3A = arith.constant 0 : i32
    %broadcast_in_dim3A_3 = vector.broadcast %broadcast_in_dim3A : i32 to vector<16xi32>
    %dma_start3A = arith.constant 0 : i32
    %dma_start3A_4 = tpu.memref_slice %arg7[%dma_start3A] : memref<512xi32, #tpu.memory_space<vmem>> -> memref<128xi32, #tpu.memory_space<vmem>>
    %dma_start3A_5 = tpu.memref_slice %arg4[%mul3A_2] : memref<16384xi32, #tpu.memory_space<hbm>> -> memref<128xi32, #tpu.memory_space<hbm>>
    %dma_start3A_6 = arith.constant 0 : i32
    %dma_start3A_7 = tpu.memref_slice %arg7[%dma_start3A_6] : memref<512xi32, #tpu.memory_space<vmem>> -> memref<128xi32, #tpu.memory_space<vmem>>
    %dma_start3A_8 = tpu.memref_slice %arg4[%mul3A_2] : memref<16384xi32, #tpu.memory_space<hbm>> -> memref<128xi32, #tpu.memory_space<hbm>>
    tpu.enqueue_dma source(%dma_start3A_8 : memref<128xi32, #tpu.memory_space<hbm>>) target(%dma_start3A_7 : memref<128xi32, #tpu.memory_space<vmem>>) target_semaphore(%arg14 : memref<!tpu.dma_semaphore, #tpu.memory_space<semaphore_mem>>)
    %dma_start3A_9 = arith.constant 0 : i32
    %dma_start3A_10 = tpu.memref_slice %arg8[%dma_start3A_9] : memref<512xi32, #tpu.memory_space<vmem>> -> memref<128xi32, #tpu.memory_space<vmem>>
    %dma_start3A_11 = tpu.memref_slice %arg5[%mul3A_2] : memref<16384xi32, #tpu.memory_space<hbm>> -> memref<128xi32, #tpu.memory_space<hbm>>
    %dma_start3A_12 = arith.constant 0 : i32
    %dma_start3A_13 = tpu.memref_slice %arg8[%dma_start3A_12] : memref<512xi32, #tpu.memory_space<vmem>> -> memref<128xi32, #tpu.memory_space<vmem>>
    %dma_start3A_14 = tpu.memref_slice %arg5[%mul3A_2] : memref<16384xi32, #tpu.memory_space<hbm>> -> memref<128xi32, #tpu.memory_space<hbm>>
    tpu.enqueue_dma source(%dma_start3A_14 : memref<128xi32, #tpu.memory_space<hbm>>) target(%dma_start3A_13 : memref<128xi32, #tpu.memory_space<vmem>>) target_semaphore(%arg15 : memref<!tpu.dma_semaphore, #tpu.memory_space<semaphore_mem>>)
    %dma_wait3A = arith.constant 0 : i32
    %dma_wait3A_15 = tpu.memref_slice %arg7[%dma_wait3A] : memref<512xi32, #tpu.memory_space<vmem>> -> memref<128xi32, #tpu.memory_space<vmem>>
    %dma_wait3A_16 = tpu.memref_slice %arg4[%mul3A_2] : memref<16384xi32, #tpu.memory_space<hbm>> -> memref<128xi32, #tpu.memory_space<hbm>>
    %dma_wait3A_17 = arith.constant 0 : i32
    %dma_wait3A_18 = tpu.memref_slice %arg7[%dma_wait3A_17] : memref<512xi32, #tpu.memory_space<vmem>> -> memref<128xi32, #tpu.memory_space<vmem>>
    %dma_wait3A_19 = tpu.memref_slice %arg4[%mul3A_2] : memref<16384xi32, #tpu.memory_space<hbm>> -> memref<128xi32, #tpu.memory_space<hbm>>
    tpu.wait_dma2 semaphore(%arg14 : memref<!tpu.dma_semaphore, #tpu.memory_space<semaphore_mem>>) src(%dma_wait3A_19 : memref<128xi32, #tpu.memory_space<hbm>>) dst(%dma_wait3A_18 : memref<128xi32, #tpu.memory_space<vmem>>)
    %dma_wait3A_20 = arith.constant 0 : i32
    %dma_wait3A_21 = tpu.memref_slice %arg8[%dma_wait3A_20] : memref<512xi32, #tpu.memory_space<vmem>> -> memref<128xi32, #tpu.memory_space<vmem>>
    %dma_wait3A_22 = tpu.memref_slice %arg5[%mul3A_2] : memref<16384xi32, #tpu.memory_space<hbm>> -> memref<128xi32, #tpu.memory_space<hbm>>
    %dma_wait3A_23 = arith.constant 0 : i32
    %dma_wait3A_24 = tpu.memref_slice %arg8[%dma_wait3A_23] : memref<512xi32, #tpu.memory_space<vmem>> -> memref<128xi32, #tpu.memory_space<vmem>>
    %dma_wait3A_25 = tpu.memref_slice %arg5[%mul3A_2] : memref<16384xi32, #tpu.memory_space<hbm>> -> memref<128xi32, #tpu.memory_space<hbm>>
    tpu.wait_dma2 semaphore(%arg15 : memref<!tpu.dma_semaphore, #tpu.memory_space<semaphore_mem>>) src(%dma_wait3A_25 : memref<128xi32, #tpu.memory_space<hbm>>) dst(%dma_wait3A_24 : memref<128xi32, #tpu.memory_space<vmem>>)
    %dma_start3A_26 = arith.constant 0 : i32
    %dma_start3A_27 = arith.constant 0 : i32
    %dma_start3A_28 = arith.constant 0 : i32
    %dma_start3A_29 = arith.constant 0 : i32
    %dma_start3A_30 = tpu.memref_slice %arg9[%dma_start3A_26, %dma_start3A_28, %dma_start3A_29] : memref<2x64x128xf32, #tpu.memory_space<vmem>> -> memref<1x64x128xf32, #tpu.memory_space<vmem>>
    %dma_start3A_31 = tpu.memref_squeeze %dma_start3A_30 : memref<1x64x128xf32, #tpu.memory_space<vmem>> -> memref<64x128xf32, #tpu.memory_space<vmem>>
    %dma_start3A_32 = arith.constant 0 : i32
    %dma_start3A_33 = tpu.memref_slice %arg7[%dma_start3A_32] : memref<512xi32, #tpu.memory_space<vmem>> -> memref<64xi32, #tpu.memory_space<vmem>>
    %dma_start3A_34 = arith.constant 0 : i32
    %dma_start3A_35 = arith.constant 0 : i32
    %dma_start3A_36 = tpu.memref_slice %arg2[%dma_start3A_34, %dma_start3A_35] : memref<100000x128xf32, #tpu.memory_space<hbm>> -> memref<100000x128xf32, #tpu.memory_space<hbm>>
    %dma_start3A_37 = tpu.memref_slice %arg13[%dma_start3A_27] : memref<2x!tpu.dma_semaphore, #tpu.memory_space<semaphore_mem>> -> memref<1x!tpu.dma_semaphore, #tpu.memory_space<semaphore_mem>>
    %dma_start3A_38 = tpu.memref_squeeze %dma_start3A_37 : memref<1x!tpu.dma_semaphore, #tpu.memory_space<semaphore_mem>> -> memref<!tpu.dma_semaphore, #tpu.memory_space<semaphore_mem>>
    tpu.enqueue_indirect_dma source(%dma_start3A_36 : memref<100000x128xf32, #tpu.memory_space<hbm>>) target(%dma_start3A_31 : memref<64x128xf32, #tpu.memory_space<vmem>>) offsets(%dma_start3A_33 : memref<64xi32, #tpu.memory_space<vmem>>) semaphore(%dma_start3A_38 : memref<!tpu.dma_semaphore, #tpu.memory_space<semaphore_mem>>)
    %dma_start3A_39 = arith.constant 0 : i32
    %dma_start3A_40 = arith.constant 0 : i32
    %dma_start3A_41 = arith.constant 0 : i32
    %dma_start3A_42 = arith.constant 0 : i32
    %dma_start3A_43 = tpu.memref_slice %arg10[%dma_start3A_39, %dma_start3A_41, %dma_start3A_42] : memref<2x64x128xf32, #tpu.memory_space<vmem>> -> memref<1x64x128xf32, #tpu.memory_space<vmem>>
    %dma_start3A_44 = tpu.memref_squeeze %dma_start3A_43 : memref<1x64x128xf32, #tpu.memory_space<vmem>> -> memref<64x128xf32, #tpu.memory_space<vmem>>
    %dma_start3A_45 = arith.constant 0 : i32
    %dma_start3A_46 = tpu.memref_slice %arg8[%dma_start3A_45] : memref<512xi32, #tpu.memory_space<vmem>> -> memref<64xi32, #tpu.memory_space<vmem>>
    %dma_start3A_47 = arith.constant 0 : i32
    %dma_start3A_48 = arith.constant 0 : i32
    %dma_start3A_49 = tpu.memref_slice %arg3[%dma_start3A_47, %dma_start3A_48] : memref<100000x128xf32, #tpu.memory_space<hbm>> -> memref<100000x128xf32, #tpu.memory_space<hbm>>
    %dma_start3A_50 = tpu.memref_slice %arg13[%dma_start3A_40] : memref<2x!tpu.dma_semaphore, #tpu.memory_space<semaphore_mem>> -> memref<1x!tpu.dma_semaphore, #tpu.memory_space<semaphore_mem>>
    %dma_start3A_51 = tpu.memref_squeeze %dma_start3A_50 : memref<1x!tpu.dma_semaphore, #tpu.memory_space<semaphore_mem>> -> memref<!tpu.dma_semaphore, #tpu.memory_space<semaphore_mem>>
    tpu.enqueue_indirect_dma source(%dma_start3A_49 : memref<100000x128xf32, #tpu.memory_space<hbm>>) target(%dma_start3A_44 : memref<64x128xf32, #tpu.memory_space<vmem>>) offsets(%dma_start3A_46 : memref<64xi32, #tpu.memory_space<vmem>>) semaphore(%dma_start3A_51 : memref<!tpu.dma_semaphore, #tpu.memory_space<semaphore_mem>>)
    %dma_start3A_52 = arith.constant 1 : i32
    %dma_start3A_53 = arith.constant 1 : i32
    %dma_start3A_54 = arith.constant 0 : i32
    %dma_start3A_55 = arith.constant 0 : i32
    %dma_start3A_56 = tpu.memref_slice %arg9[%dma_start3A_52, %dma_start3A_54, %dma_start3A_55] : memref<2x64x128xf32, #tpu.memory_space<vmem>> -> memref<1x64x128xf32, #tpu.memory_space<vmem>>
    %dma_start3A_57 = tpu.memref_squeeze %dma_start3A_56 : memref<1x64x128xf32, #tpu.memory_space<vmem>> -> memref<64x128xf32, #tpu.memory_space<vmem>>
    %dma_start3A_58 = arith.constant 64 : i32
    %dma_start3A_59 = tpu.memref_slice %arg7[%dma_start3A_58] : memref<512xi32, #tpu.memory_space<vmem>> -> memref<64xi32, #tpu.memory_space<vmem>>
    %dma_start3A_60 = arith.constant 0 : i32
    %dma_start3A_61 = arith.constant 0 : i32
    %dma_start3A_62 = tpu.memref_slice %arg2[%dma_start3A_60, %dma_start3A_61] : memref<100000x128xf32, #tpu.memory_space<hbm>> -> memref<100000x128xf32, #tpu.memory_space<hbm>>
    %dma_start3A_63 = tpu.memref_slice %arg13[%dma_start3A_53] : memref<2x!tpu.dma_semaphore, #tpu.memory_space<semaphore_mem>> -> memref<1x!tpu.dma_semaphore, #tpu.memory_space<semaphore_mem>>
    %dma_start3A_64 = tpu.memref_squeeze %dma_start3A_63 : memref<1x!tpu.dma_semaphore, #tpu.memory_space<semaphore_mem>> -> memref<!tpu.dma_semaphore, #tpu.memory_space<semaphore_mem>>
    tpu.enqueue_indirect_dma source(%dma_start3A_62 : memref<100000x128xf32, #tpu.memory_space<hbm>>) target(%dma_start3A_57 : memref<64x128xf32, #tpu.memory_space<vmem>>) offsets(%dma_start3A_59 : memref<64xi32, #tpu.memory_space<vmem>>) semaphore(%dma_start3A_64 : memref<!tpu.dma_semaphore, #tpu.memory_space<semaphore_mem>>)
    %dma_start3A_65 = arith.constant 1 : i32
    %dma_start3A_66 = arith.constant 1 : i32
    %dma_start3A_67 = arith.constant 0 : i32
    %dma_start3A_68 = arith.constant 0 : i32
    %dma_start3A_69 = tpu.memref_slice %arg10[%dma_start3A_65, %dma_start3A_67, %dma_start3A_68] : memref<2x64x128xf32, #tpu.memory_space<vmem>> -> memref<1x64x128xf32, #tpu.memory_space<vmem>>
    %dma_start3A_70 = tpu.memref_squeeze %dma_start3A_69 : memref<1x64x128xf32, #tpu.memory_space<vmem>> -> memref<64x128xf32, #tpu.memory_space<vmem>>
    %dma_start3A_71 = arith.constant 64 : i32
    %dma_start3A_72 = tpu.memref_slice %arg8[%dma_start3A_71] : memref<512xi32, #tpu.memory_space<vmem>> -> memref<64xi32, #tpu.memory_space<vmem>>
    %dma_start3A_73 = arith.constant 0 : i32
    %dma_start3A_74 = arith.constant 0 : i32
    %dma_start3A_75 = tpu.memref_slice %arg3[%dma_start3A_73, %dma_start3A_74] : memref<100000x128xf32, #tpu.memory_space<hbm>> -> memref<100000x128xf32, #tpu.memory_space<hbm>>
    %dma_start3A_76 = tpu.memref_slice %arg13[%dma_start3A_66] : memref<2x!tpu.dma_semaphore, #tpu.memory_space<semaphore_mem>> -> memref<1x!tpu.dma_semaphore, #tpu.memory_space<semaphore_mem>>
    %dma_start3A_77 = tpu.memref_squeeze %dma_start3A_76 : memref<1x!tpu.dma_semaphore, #tpu.memory_space<semaphore_mem>> -> memref<!tpu.dma_semaphore, #tpu.memory_space<semaphore_mem>>
    tpu.enqueue_indirect_dma source(%dma_start3A_75 : memref<100000x128xf32, #tpu.memory_space<hbm>>) target(%dma_start3A_70 : memref<64x128xf32, #tpu.memory_space<vmem>>) offsets(%dma_start3A_72 : memref<64xi32, #tpu.memory_space<vmem>>) semaphore(%dma_start3A_77 : memref<!tpu.dma_semaphore, #tpu.memory_space<semaphore_mem>>)
    %add3A_78 = arith.constant 128 : i32
    %add3A_79 = arith.addi %mul3A_2, %add3A_78 : i32
    %dma_start3A_80 = arith.constant 128 : i32
    %dma_start3A_81 = tpu.memref_slice %arg7[%dma_start3A_80] : memref<512xi32, #tpu.memory_space<vmem>> -> memref<384xi32, #tpu.memory_space<vmem>>
    %dma_start3A_82 = tpu.memref_slice %arg4[%add3A_79] : memref<16384xi32, #tpu.memory_space<hbm>> -> memref<384xi32, #tpu.memory_space<hbm>>
    %dma_start3A_83 = arith.constant 128 : i32
    %dma_start3A_84 = tpu.memref_slice %arg7[%dma_start3A_83] : memref<512xi32, #tpu.memory_space<vmem>> -> memref<384xi32, #tpu.memory_space<vmem>>
    %dma_start3A_85 = tpu.memref_slice %arg4[%add3A_79] : memref<16384xi32, #tpu.memory_space<hbm>> -> memref<384xi32, #tpu.memory_space<hbm>>
    tpu.enqueue_dma source(%dma_start3A_85 : memref<384xi32, #tpu.memory_space<hbm>>) target(%dma_start3A_84 : memref<384xi32, #tpu.memory_space<vmem>>) target_semaphore(%arg14 : memref<!tpu.dma_semaphore, #tpu.memory_space<semaphore_mem>>)
    %add3A_86 = arith.constant 128 : i32
    %add3A_87 = arith.addi %mul3A_2, %add3A_86 : i32
    %dma_start3A_88 = arith.constant 128 : i32
    %dma_start3A_89 = tpu.memref_slice %arg8[%dma_start3A_88] : memref<512xi32, #tpu.memory_space<vmem>> -> memref<384xi32, #tpu.memory_space<vmem>>
    %dma_start3A_90 = tpu.memref_slice %arg5[%add3A_87] : memref<16384xi32, #tpu.memory_space<hbm>> -> memref<384xi32, #tpu.memory_space<hbm>>
    %dma_start3A_91 = arith.constant 128 : i32
    %dma_start3A_92 = tpu.memref_slice %arg8[%dma_start3A_91] : memref<512xi32, #tpu.memory_space<vmem>> -> memref<384xi32, #tpu.memory_space<vmem>>
    %dma_start3A_93 = tpu.memref_slice %arg5[%add3A_87] : memref<16384xi32, #tpu.memory_space<hbm>> -> memref<384xi32, #tpu.memory_space<hbm>>
    tpu.enqueue_dma source(%dma_start3A_93 : memref<384xi32, #tpu.memory_space<hbm>>) target(%dma_start3A_92 : memref<384xi32, #tpu.memory_space<vmem>>) target_semaphore(%arg15 : memref<!tpu.dma_semaphore, #tpu.memory_space<semaphore_mem>>)
    %dma_wait3A_94 = arith.constant 128 : i32
    %dma_wait3A_95 = tpu.memref_slice %arg7[%dma_wait3A_94] : memref<512xi32, #tpu.memory_space<vmem>> -> memref<384xi32, #tpu.memory_space<vmem>>
    %dma_wait3A_96 = tpu.memref_slice %arg4[%add3A_79] : memref<16384xi32, #tpu.memory_space<hbm>> -> memref<384xi32, #tpu.memory_space<hbm>>
    %dma_wait3A_97 = arith.constant 128 : i32
    %dma_wait3A_98 = tpu.memref_slice %arg7[%dma_wait3A_97] : memref<512xi32, #tpu.memory_space<vmem>> -> memref<384xi32, #tpu.memory_space<vmem>>
    %dma_wait3A_99 = tpu.memref_slice %arg4[%add3A_79] : memref<16384xi32, #tpu.memory_space<hbm>> -> memref<384xi32, #tpu.memory_space<hbm>>
    tpu.wait_dma2 semaphore(%arg14 : memref<!tpu.dma_semaphore, #tpu.memory_space<semaphore_mem>>) src(%dma_wait3A_99 : memref<384xi32, #tpu.memory_space<hbm>>) dst(%dma_wait3A_98 : memref<384xi32, #tpu.memory_space<vmem>>)
    %dma_wait3A_100 = arith.constant 128 : i32
    %dma_wait3A_101 = tpu.memref_slice %arg8[%dma_wait3A_100] : memref<512xi32, #tpu.memory_space<vmem>> -> memref<384xi32, #tpu.memory_space<vmem>>
    %dma_wait3A_102 = tpu.memref_slice %arg5[%add3A_87] : memref<16384xi32, #tpu.memory_space<hbm>> -> memref<384xi32, #tpu.memory_space<hbm>>
    %dma_wait3A_103 = arith.constant 128 : i32
    %dma_wait3A_104 = tpu.memref_slice %arg8[%dma_wait3A_103] : memref<512xi32, #tpu.memory_space<vmem>> -> memref<384xi32, #tpu.memory_space<vmem>>
    %dma_wait3A_105 = tpu.memref_slice %arg5[%add3A_87] : memref<16384xi32, #tpu.memory_space<hbm>> -> memref<384xi32, #tpu.memory_space<hbm>>
    tpu.wait_dma2 semaphore(%arg15 : memref<!tpu.dma_semaphore, #tpu.memory_space<semaphore_mem>>) src(%dma_wait3A_105 : memref<384xi32, #tpu.memory_space<hbm>>) dst(%dma_wait3A_104 : memref<384xi32, #tpu.memory_space<vmem>>)
    %scan3A = arith.constant 0 : i32
    %scan3A_106 = arith.constant 0 : i32
    %scan3A_107 = arith.constant 8 : i32
    %scan3A_108 = arith.addi %scan3A_106, %scan3A_107 : i32
    %scan3A_109 = arith.constant 1 : i32
    scf.for %scan3A_113 = %scan3A_106 to %scan3A_108 step %scan3A_109  : i32 {
      %jit3A = arith.constant 2 : i32
      %eq3A = arith.constant 0 : i32
      %eq3A_114 = arith.cmpi eq, %jit3A, %eq3A : i32
      %jit3A_115 = arith.constant 1 : i32
      %select_n3A = arith.select %eq3A_114, %jit3A_115, %jit3A : i32
      %rem3A = arith.remsi %scan3A_113, %select_n3A : i32
      %ne3A = arith.constant 0 : i32
      %ne3A_116 = arith.cmpi ne, %rem3A, %ne3A : i32
      %lt3A = arith.constant 0 : i32
      %lt3A_117 = arith.cmpi slt, %rem3A, %lt3A : i32
      %lt3A_118 = arith.constant 0 : i32
      %lt3A_119 = arith.cmpi slt, %select_n3A, %lt3A_118 : i32
      %ne3A_120 = arith.xori %lt3A_117, %lt3A_119 : i1
      %and3A = arith.andi %ne3A_120, %ne3A_116 : i1
      %add3A_121 = arith.addi %rem3A, %select_n3A : i32
      %select_n3A_122 = arith.select %and3A, %add3A_121, %rem3A : i32
      %dma_wait3A_123 = arith.constant 0 : i32
      %dma_wait3A_124 = arith.constant 0 : i32
      %dma_wait3A_125 = arith.constant 0 : i32
      %dma_wait3A_126 = tpu.memref_slice %arg9[%dma_wait3A_123, %dma_wait3A_124, %dma_wait3A_125] : memref<2x64x128xf32, #tpu.memory_space<vmem>> -> memref<1x64x128xf32, #tpu.memory_space<vmem>>
      %dma_wait3A_127 = tpu.memref_squeeze %dma_wait3A_126 : memref<1x64x128xf32, #tpu.memory_space<vmem>> -> memref<64x128xf32, #tpu.memory_space<vmem>>
      %dma_wait3A_128 = arith.constant 0 : i32
      %dma_wait3A_129 = tpu.memref_slice %arg7[%dma_wait3A_128] : memref<512xi32, #tpu.memory_space<vmem>> -> memref<64xi32, #tpu.memory_space<vmem>>
      %dma_wait3A_130 = arith.constant 0 : i32
      %dma_wait3A_131 = arith.constant 0 : i32
      %dma_wait3A_132 = tpu.memref_slice %arg2[%dma_wait3A_130, %dma_wait3A_131] : memref<100000x128xf32, #tpu.memory_space<hbm>> -> memref<100000x128xf32, #tpu.memory_space<hbm>>
      %dma_wait3A_133 = tpu.memref_slice %arg13[%select_n3A_122] : memref<2x!tpu.dma_semaphore, #tpu.memory_space<semaphore_mem>> -> memref<1x!tpu.dma_semaphore, #tpu.memory_space<semaphore_mem>>
      %dma_wait3A_134 = tpu.memref_squeeze %dma_wait3A_133 : memref<1x!tpu.dma_semaphore, #tpu.memory_space<semaphore_mem>> -> memref<!tpu.dma_semaphore, #tpu.memory_space<semaphore_mem>>
      tpu.wait_indirect_dma semaphore(%dma_wait3A_134 : memref<!tpu.dma_semaphore, #tpu.memory_space<semaphore_mem>>) src(%dma_wait3A_132 : memref<100000x128xf32, #tpu.memory_space<hbm>>) dst(%dma_wait3A_127 : memref<64x128xf32, #tpu.memory_space<vmem>>)
      %dma_wait3A_135 = arith.constant 0 : i32
      %dma_wait3A_136 = arith.constant 0 : i32
      %dma_wait3A_137 = arith.constant 0 : i32
      %dma_wait3A_138 = tpu.memref_slice %arg10[%dma_wait3A_135, %dma_wait3A_136, %dma_wait3A_137] : memref<2x64x128xf32, #tpu.memory_space<vmem>> -> memref<1x64x128xf32, #tpu.memory_space<vmem>>
      %dma_wait3A_139 = tpu.memref_squeeze %dma_wait3A_138 : memref<1x64x128xf32, #tpu.memory_space<vmem>> -> memref<64x128xf32, #tpu.memory_space<vmem>>
      %dma_wait3A_140 = arith.constant 0 : i32
      %dma_wait3A_141 = tpu.memref_slice %arg8[%dma_wait3A_140] : memref<512xi32, #tpu.memory_space<vmem>> -> memref<64xi32, #tpu.memory_space<vmem>>
      %dma_wait3A_142 = arith.constant 0 : i32
      %dma_wait3A_143 = arith.constant 0 : i32
      %dma_wait3A_144 = tpu.memref_slice %arg3[%dma_wait3A_142, %dma_wait3A_143] : memref<100000x128xf32, #tpu.memory_space<hbm>> -> memref<100000x128xf32, #tpu.memory_space<hbm>>
      %dma_wait3A_145 = tpu.memref_slice %arg13[%select_n3A_122] : memref<2x!tpu.dma_semaphore, #tpu.memory_space<semaphore_mem>> -> memref<1x!tpu.dma_semaphore, #tpu.memory_space<semaphore_mem>>
      %dma_wait3A_146 = tpu.memref_squeeze %dma_wait3A_145 : memref<1x!tpu.dma_semaphore, #tpu.memory_space<semaphore_mem>> -> memref<!tpu.dma_semaphore, #tpu.memory_space<semaphore_mem>>
      tpu.wait_indirect_dma semaphore(%dma_wait3A_146 : memref<!tpu.dma_semaphore, #tpu.memory_space<semaphore_mem>>) src(%dma_wait3A_144 : memref<100000x128xf32, #tpu.memory_space<hbm>>) dst(%dma_wait3A_139 : memref<64x128xf32, #tpu.memory_space<vmem>>)
      %scan3A_147 = arith.constant 0 : i32
      %scan3A_148 = arith.constant 0 : i32
      %scan3A_149 = arith.constant 4 : i32
      %scan3A_150 = arith.addi %scan3A_148, %scan3A_149 : i32
      %scan3A_151 = arith.constant 1 : i32
      scf.for %scan3A_167 = %scan3A_148 to %scan3A_150 step %scan3A_151  : i32 {
        %mul3A_168 = arith.constant 16 : i32
        %mul3A_169 = arith.muli %scan3A_167, %mul3A_168 : i32
        %parallel_loop3A = arith.constant 0 : i32
        %parallel_loop3A_170 = arith.constant 16 : i32
        %parallel_loop3A_171 = arith.constant 1 : i32
        scf.for %parallel_loop3A_238 = %parallel_loop3A to %parallel_loop3A_170 step %parallel_loop3A_171  : i32 {
          %parallel_loop3A_239 = arith.addi %mul3A_169, %parallel_loop3A_238 : i32
          %parallel_loop3A_240 = arith.index_cast %select_n3A_122 : i32 to index
          %parallel_loop3A_241 = arith.index_cast %parallel_loop3A_239 : i32 to index
          %parallel_loop3A_242 = arith.constant 0 : index
          %parallel_loop3A_243 = tpu.vector_load %arg9[%parallel_loop3A_240, %parallel_loop3A_241, %parallel_loop3A_242] {strides = array<i32>} : memref<2x64x128xf32, #tpu.memory_space<vmem>>, vector<16xf32>,
          %parallel_loop3A_244 = arith.index_cast %select_n3A_122 : i32 to index
          %parallel_loop3A_245 = arith.index_cast %parallel_loop3A_239 : i32 to index
          %parallel_loop3A_246 = arith.constant 0 : index
          %parallel_loop3A_247 = tpu.vector_load %arg10[%parallel_loop3A_244, %parallel_loop3A_245, %parallel_loop3A_246] {strides = array<i32>} : memref<2x64x128xf32, #tpu.memory_space<vmem>>, vector<16xf32>,
          %parallel_loop3A_248 = arith.mulf %parallel_loop3A_243, %parallel_loop3A_247 : vector<16xf32>
          %parallel_loop3A_249 = arith.index_cast %select_n3A_122 : i32 to index
          %parallel_loop3A_250 = arith.index_cast %parallel_loop3A_239 : i32 to index
          %parallel_loop3A_251 = arith.constant 16 : index
          %parallel_loop3A_252 = tpu.vector_load %arg9[%parallel_loop3A_249, %parallel_loop3A_250, %parallel_loop3A_251] {strides = array<i32>} : memref<2x64x128xf32, #tpu.memory_space<vmem>>, vector<16xf32>,
          %parallel_loop3A_253 = arith.index_cast %select_n3A_122 : i32 to index
          %parallel_loop3A_254 = arith.index_cast %parallel_loop3A_239 : i32 to index
          %parallel_loop3A_255 = arith.constant 16 : index
          %parallel_loop3A_256 = tpu.vector_load %arg10[%parallel_loop3A_253, %parallel_loop3A_254, %parallel_loop3A_255] {strides = array<i32>} : memref<2x64x128xf32, #tpu.memory_space<vmem>>, vector<16xf32>,
          %parallel_loop3A_257 = arith.mulf %parallel_loop3A_252, %parallel_loop3A_256 : vector<16xf32>
          %parallel_loop3A_258 = arith.addf %parallel_loop3A_248, %parallel_loop3A_257 : vector<16xf32>
          %parallel_loop3A_259 = arith.index_cast %select_n3A_122 : i32 to index
          %parallel_loop3A_260 = arith.index_cast %parallel_loop3A_239 : i32 to index
          %parallel_loop3A_261 = arith.constant 32 : index
          %parallel_loop3A_262 = tpu.vector_load %arg9[%parallel_loop3A_259, %parallel_loop3A_260, %parallel_loop3A_261] {strides = array<i32>} : memref<2x64x128xf32, #tpu.memory_space<vmem>>, vector<16xf32>,
          %parallel_loop3A_263 = arith.index_cast %select_n3A_122 : i32 to index
          %parallel_loop3A_264 = arith.index_cast %parallel_loop3A_239 : i32 to index
          %parallel_loop3A_265 = arith.constant 32 : index
          %parallel_loop3A_266 = tpu.vector_load %arg10[%parallel_loop3A_263, %parallel_loop3A_264, %parallel_loop3A_265] {strides = array<i32>} : memref<2x64x128xf32, #tpu.memory_space<vmem>>, vector<16xf32>,
          %parallel_loop3A_267 = arith.mulf %parallel_loop3A_262, %parallel_loop3A_266 : vector<16xf32>
          %parallel_loop3A_268 = arith.addf %parallel_loop3A_258, %parallel_loop3A_267 : vector<16xf32>
          %parallel_loop3A_269 = arith.index_cast %select_n3A_122 : i32 to index
          %parallel_loop3A_270 = arith.index_cast %parallel_loop3A_239 : i32 to index
          %parallel_loop3A_271 = arith.constant 48 : index
          %parallel_loop3A_272 = tpu.vector_load %arg9[%parallel_loop3A_269, %parallel_loop3A_270, %parallel_loop3A_271] {strides = array<i32>} : memref<2x64x128xf32, #tpu.memory_space<vmem>>, vector<16xf32>,
          %parallel_loop3A_273 = arith.index_cast %select_n3A_122 : i32 to index
          %parallel_loop3A_274 = arith.index_cast %parallel_loop3A_239 : i32 to index
          %parallel_loop3A_275 = arith.constant 48 : index
          %parallel_loop3A_276 = tpu.vector_load %arg10[%parallel_loop3A_273, %parallel_loop3A_274, %parallel_loop3A_275] {strides = array<i32>} : memref<2x64x128xf32, #tpu.memory_space<vmem>>, vector<16xf32>,
          %parallel_loop3A_277 = arith.mulf %parallel_loop3A_272, %parallel_loop3A_276 : vector<16xf32>
          %parallel_loop3A_278 = arith.addf %parallel_loop3A_268, %parallel_loop3A_277 : vector<16xf32>
          %parallel_loop3A_279 = arith.index_cast %select_n3A_122 : i32 to index
          %parallel_loop3A_280 = arith.index_cast %parallel_loop3A_239 : i32 to index
          %parallel_loop3A_281 = arith.constant 64 : index
          %parallel_loop3A_282 = tpu.vector_load %arg9[%parallel_loop3A_279, %parallel_loop3A_280, %parallel_loop3A_281] {strides = array<i32>} : memref<2x64x128xf32, #tpu.memory_space<vmem>>, vector<16xf32>,
          %parallel_loop3A_283 = arith.index_cast %select_n3A_122 : i32 to index
          %parallel_loop3A_284 = arith.index_cast %parallel_loop3A_239 : i32 to index
          %parallel_loop3A_285 = arith.constant 64 : index
          %parallel_loop3A_286 = tpu.vector_load %arg10[%parallel_loop3A_283, %parallel_loop3A_284, %parallel_loop3A_285] {strides = array<i32>} : memref<2x64x128xf32, #tpu.memory_space<vmem>>, vector<16xf32>,
          %parallel_loop3A_287 = arith.mulf %parallel_loop3A_282, %parallel_loop3A_286 : vector<16xf32>
          %parallel_loop3A_288 = arith.addf %parallel_loop3A_278, %parallel_loop3A_287 : vector<16xf32>
          %parallel_loop3A_289 = arith.index_cast %select_n3A_122 : i32 to index
          %parallel_loop3A_290 = arith.index_cast %parallel_loop3A_239 : i32 to index
          %parallel_loop3A_291 = arith.constant 80 : index
          %parallel_loop3A_292 = tpu.vector_load %arg9[%parallel_loop3A_289, %parallel_loop3A_290, %parallel_loop3A_291] {strides = array<i32>} : memref<2x64x128xf32, #tpu.memory_space<vmem>>, vector<16xf32>,
          %parallel_loop3A_293 = arith.index_cast %select_n3A_122 : i32 to index
          %parallel_loop3A_294 = arith.index_cast %parallel_loop3A_239 : i32 to index
          %parallel_loop3A_295 = arith.constant 80 : index
          %parallel_loop3A_296 = tpu.vector_load %arg10[%parallel_loop3A_293, %parallel_loop3A_294, %parallel_loop3A_295] {strides = array<i32>} : memref<2x64x128xf32, #tpu.memory_space<vmem>>, vector<16xf32>,
          %parallel_loop3A_297 = arith.mulf %parallel_loop3A_292, %parallel_loop3A_296 : vector<16xf32>
          %parallel_loop3A_298 = arith.addf %parallel_loop3A_288, %parallel_loop3A_297 : vector<16xf32>
          %parallel_loop3A_299 = arith.index_cast %select_n3A_122 : i32 to index
          %parallel_loop3A_300 = arith.index_cast %parallel_loop3A_239 : i32 to index
          %parallel_loop3A_301 = arith.constant 96 : index
          %parallel_loop3A_302 = tpu.vector_load %arg9[%parallel_loop3A_299, %parallel_loop3A_300, %parallel_loop3A_301] {strides = array<i32>} : memref<2x64x128xf32, #tpu.memory_space<vmem>>, vector<16xf32>,
          %parallel_loop3A_303 = arith.index_cast %select_n3A_122 : i32 to index
          %parallel_loop3A_304 = arith.index_cast %parallel_loop3A_239 : i32 to index
          %parallel_loop3A_305 = arith.constant 96 : index
          %parallel_loop3A_306 = tpu.vector_load %arg10[%parallel_loop3A_303, %parallel_loop3A_304, %parallel_loop3A_305] {strides = array<i32>} : memref<2x64x128xf32, #tpu.memory_space<vmem>>, vector<16xf32>,
          %parallel_loop3A_307 = arith.mulf %parallel_loop3A_302, %parallel_loop3A_306 : vector<16xf32>
          %parallel_loop3A_308 = arith.addf %parallel_loop3A_298, %parallel_loop3A_307 : vector<16xf32>
          %parallel_loop3A_309 = arith.index_cast %select_n3A_122 : i32 to index
          %parallel_loop3A_310 = arith.index_cast %parallel_loop3A_239 : i32 to index
          %parallel_loop3A_311 = arith.constant 112 : index
          %parallel_loop3A_312 = tpu.vector_load %arg9[%parallel_loop3A_309, %parallel_loop3A_310, %parallel_loop3A_311] {strides = array<i32>} : memref<2x64x128xf32, #tpu.memory_space<vmem>>, vector<16xf32>,
          %parallel_loop3A_313 = arith.index_cast %select_n3A_122 : i32 to index
          %parallel_loop3A_314 = arith.index_cast %parallel_loop3A_239 : i32 to index
          %parallel_loop3A_315 = arith.constant 112 : index
          %parallel_loop3A_316 = tpu.vector_load %arg10[%parallel_loop3A_313, %parallel_loop3A_314, %parallel_loop3A_315] {strides = array<i32>} : memref<2x64x128xf32, #tpu.memory_space<vmem>>, vector<16xf32>,
          %parallel_loop3A_317 = arith.mulf %parallel_loop3A_312, %parallel_loop3A_316 : vector<16xf32>
          %parallel_loop3A_318 = arith.addf %parallel_loop3A_308, %parallel_loop3A_317 : vector<16xf32>
          %parallel_loop3A_319 = arith.index_cast %parallel_loop3A_238 : i32 to index
          %parallel_loop3A_320 = arith.constant 0 : index
          %parallel_loop3A_321 = tpu.vector_load %arg11[%parallel_loop3A_319, %parallel_loop3A_320] {strides = array<i32>} : memref<16x16xf32, #tpu.memory_space<vmem>>, vector<16xf32>,
          tpu.vector_store %arg11[%parallel_loop3A_319, %parallel_loop3A_320], %parallel_loop3A_318 {strides = array<i32>} : memref<16x16xf32, #tpu.memory_space<vmem>>, vector<16xf32>,
        } {sc.loop_unroll_factor = 2 : i64, sc.parallel_access}
        %broadcast_in_dim3A_172 = arith.constant 0 : i32
        %broadcast_in_dim3A_173 = vector.broadcast %broadcast_in_dim3A_172 : i32 to vector<16xi32>
        %gather3A = tpu.vector_load_idx %arg11[%iota3A, %broadcast_in_dim3A_173] : memref<16x16xf32, #tpu.memory_space<vmem>>[vector<16xi32>, vector<16xi32>], vector<16xf32>,
        %broadcast_in_dim3A_174 = arith.constant 1 : i32
        %broadcast_in_dim3A_175 = vector.broadcast %broadcast_in_dim3A_174 : i32 to vector<16xi32>
        %gather3A_176 = tpu.vector_load_idx %arg11[%iota3A, %broadcast_in_dim3A_175] : memref<16x16xf32, #tpu.memory_space<vmem>>[vector<16xi32>, vector<16xi32>], vector<16xf32>,
        %broadcast_in_dim3A_177 = arith.constant 2 : i32
        %broadcast_in_dim3A_178 = vector.broadcast %broadcast_in_dim3A_177 : i32 to vector<16xi32>
        %gather3A_179 = tpu.vector_load_idx %arg11[%iota3A, %broadcast_in_dim3A_178] : memref<16x16xf32, #tpu.memory_space<vmem>>[vector<16xi32>, vector<16xi32>], vector<16xf32>,
        %broadcast_in_dim3A_180 = arith.constant 3 : i32
        %broadcast_in_dim3A_181 = vector.broadcast %broadcast_in_dim3A_180 : i32 to vector<16xi32>
        %gather3A_182 = tpu.vector_load_idx %arg11[%iota3A, %broadcast_in_dim3A_181] : memref<16x16xf32, #tpu.memory_space<vmem>>[vector<16xi32>, vector<16xi32>], vector<16xf32>,
        %broadcast_in_dim3A_183 = arith.constant 4 : i32
        %broadcast_in_dim3A_184 = vector.broadcast %broadcast_in_dim3A_183 : i32 to vector<16xi32>
        %gather3A_185 = tpu.vector_load_idx %arg11[%iota3A, %broadcast_in_dim3A_184] : memref<16x16xf32, #tpu.memory_space<vmem>>[vector<16xi32>, vector<16xi32>], vector<16xf32>,
        %broadcast_in_dim3A_186 = arith.constant 5 : i32
        %broadcast_in_dim3A_187 = vector.broadcast %broadcast_in_dim3A_186 : i32 to vector<16xi32>
        %gather3A_188 = tpu.vector_load_idx %arg11[%iota3A, %broadcast_in_dim3A_187] : memref<16x16xf32, #tpu.memory_space<vmem>>[vector<16xi32>, vector<16xi32>], vector<16xf32>,
        %broadcast_in_dim3A_189 = arith.constant 6 : i32
        %broadcast_in_dim3A_190 = vector.broadcast %broadcast_in_dim3A_189 : i32 to vector<16xi32>
        %gather3A_191 = tpu.vector_load_idx %arg11[%iota3A, %broadcast_in_dim3A_190] : memref<16x16xf32, #tpu.memory_space<vmem>>[vector<16xi32>, vector<16xi32>], vector<16xf32>,
        %broadcast_in_dim3A_192 = arith.constant 7 : i32
        %broadcast_in_dim3A_193 = vector.broadcast %broadcast_in_dim3A_192 : i32 to vector<16xi32>
        %gather3A_194 = tpu.vector_load_idx %arg11[%iota3A, %broadcast_in_dim3A_193] : memref<16x16xf32, #tpu.memory_space<vmem>>[vector<16xi32>, vector<16xi32>], vector<16xf32>,
        %broadcast_in_dim3A_195 = arith.constant 8 : i32
        %broadcast_in_dim3A_196 = vector.broadcast %broadcast_in_dim3A_195 : i32 to vector<16xi32>
        %gather3A_197 = tpu.vector_load_idx %arg11[%iota3A, %broadcast_in_dim3A_196] : memref<16x16xf32, #tpu.memory_space<vmem>>[vector<16xi32>, vector<16xi32>], vector<16xf32>,
        %broadcast_in_dim3A_198 = arith.constant 9 : i32
        %broadcast_in_dim3A_199 = vector.broadcast %broadcast_in_dim3A_198 : i32 to vector<16xi32>
        %gather3A_200 = tpu.vector_load_idx %arg11[%iota3A, %broadcast_in_dim3A_199] : memref<16x16xf32, #tpu.memory_space<vmem>>[vector<16xi32>, vector<16xi32>], vector<16xf32>,
        %broadcast_in_dim3A_201 = arith.constant 10 : i32
        %broadcast_in_dim3A_202 = vector.broadcast %broadcast_in_dim3A_201 : i32 to vector<16xi32>
        %gather3A_203 = tpu.vector_load_idx %arg11[%iota3A, %broadcast_in_dim3A_202] : memref<16x16xf32, #tpu.memory_space<vmem>>[vector<16xi32>, vector<16xi32>], vector<16xf32>,
        %broadcast_in_dim3A_204 = arith.constant 11 : i32
        %broadcast_in_dim3A_205 = vector.broadcast %broadcast_in_dim3A_204 : i32 to vector<16xi32>
        %gather3A_206 = tpu.vector_load_idx %arg11[%iota3A, %broadcast_in_dim3A_205] : memref<16x16xf32, #tpu.memory_space<vmem>>[vector<16xi32>, vector<16xi32>], vector<16xf32>,
        %broadcast_in_dim3A_207 = arith.constant 12 : i32
        %broadcast_in_dim3A_208 = vector.broadcast %broadcast_in_dim3A_207 : i32 to vector<16xi32>
        %gather3A_209 = tpu.vector_load_idx %arg11[%iota3A, %broadcast_in_dim3A_208] : memref<16x16xf32, #tpu.memory_space<vmem>>[vector<16xi32>, vector<16xi32>], vector<16xf32>,
        %broadcast_in_dim3A_210 = arith.constant 13 : i32
        %broadcast_in_dim3A_211 = vector.broadcast %broadcast_in_dim3A_210 : i32 to vector<16xi32>
        %gather3A_212 = tpu.vector_load_idx %arg11[%iota3A, %broadcast_in_dim3A_211] : memref<16x16xf32, #tpu.memory_space<vmem>>[vector<16xi32>, vector<16xi32>], vector<16xf32>,
        %broadcast_in_dim3A_213 = arith.constant 14 : i32
        %broadcast_in_dim3A_214 = vector.broadcast %broadcast_in_dim3A_213 : i32 to vector<16xi32>
        %gather3A_215 = tpu.vector_load_idx %arg11[%iota3A, %broadcast_in_dim3A_214] : memref<16x16xf32, #tpu.memory_space<vmem>>[vector<16xi32>, vector<16xi32>], vector<16xf32>,
        %broadcast_in_dim3A_216 = arith.constant 15 : i32
        %broadcast_in_dim3A_217 = vector.broadcast %broadcast_in_dim3A_216 : i32 to vector<16xi32>
        %gather3A_218 = tpu.vector_load_idx %arg11[%iota3A, %broadcast_in_dim3A_217] : memref<16x16xf32, #tpu.memory_space<vmem>>[vector<16xi32>, vector<16xi32>], vector<16xf32>,
        %add3A_219 = arith.addf %gather3A, %gather3A_176 : vector<16xf32>
        %add3A_220 = arith.addf %gather3A_179, %gather3A_182 : vector<16xf32>
        %add3A_221 = arith.addf %gather3A_185, %gather3A_188 : vector<16xf32>
        %add3A_222 = arith.addf %gather3A_191, %gather3A_194 : vector<16xf32>
        %add3A_223 = arith.addf %gather3A_197, %gather3A_200 : vector<16xf32>
        %add3A_224 = arith.addf %gather3A_203, %gather3A_206 : vector<16xf32>
        %add3A_225 = arith.addf %gather3A_209, %gather3A_212 : vector<16xf32>
        %add3A_226 = arith.addf %gather3A_215, %gather3A_218 : vector<16xf32>
        %add3A_227 = arith.addf %add3A_219, %add3A_220 : vector<16xf32>
        %add3A_228 = arith.addf %add3A_221, %add3A_222 : vector<16xf32>
        %add3A_229 = arith.addf %add3A_223, %add3A_224 : vector<16xf32>
        %add3A_230 = arith.addf %add3A_225, %add3A_226 : vector<16xf32>
        %add3A_231 = arith.addf %add3A_227, %add3A_228 : vector<16xf32>
        %add3A_232 = arith.addf %add3A_229, %add3A_230 : vector<16xf32>
        %add3A_233 = arith.addf %add3A_231, %add3A_232 : vector<16xf32>
        %mul3A_234 = arith.constant 64 : i32
        %mul3A_235 = arith.muli %scan3A_113, %mul3A_234 : i32
        %add3A_236 = arith.addi %mul3A_235, %mul3A_169 : i32
        %swap3A = arith.index_cast %add3A_236 : i32 to index
        %swap3A_237 = tpu.vector_load %arg12[%swap3A] {strides = array<i32>} : memref<512xf32, #tpu.memory_space<vmem>>, vector<16xf32>,
        tpu.vector_store %arg12[%swap3A], %add3A_233 {strides = array<i32>} : memref<512xf32, #tpu.memory_space<vmem>>, vector<16xf32>,
      }
      %scan3A_152 = arith.constant 4 : i32
      %add3A_153 = arith.constant 2 : i32
      %add3A_154 = arith.addi %scan3A_113, %add3A_153 : i32
      %lt3A_155 = arith.constant 8 : i32
      %lt3A_156 = arith.cmpi slt, %add3A_154, %lt3A_155 : i32
      %convert_element_type3A = arith.extui %lt3A_156 : i1 to i32
      %cond3A = arith.constant 0 : i32
      %cond3A_157 = arith.cmpi ne, %convert_element_type3A, %cond3A : i32
      scf.if %cond3A_157 {
        %add3A_167 = arith.constant 2 : i32
        %add3A_168 = arith.addi %scan3A_113, %add3A_167 : i32
        %mul3A_169 = arith.constant 64 : i32
        %mul3A_170 = arith.muli %add3A_168, %mul3A_169 : i32
        %dma_start3A_171 = arith.constant 0 : i32
        %dma_start3A_172 = arith.constant 0 : i32
        %dma_start3A_173 = tpu.memref_slice %arg9[%select_n3A_122, %dma_start3A_171, %dma_start3A_172] : memref<2x64x128xf32, #tpu.memory_space<vmem>> -> memref<1x64x128xf32, #tpu.memory_space<vmem>>
        %dma_start3A_174 = tpu.memref_squeeze %dma_start3A_173 : memref<1x64x128xf32, #tpu.memory_space<vmem>> -> memref<64x128xf32, #tpu.memory_space<vmem>>
        %dma_start3A_175 = tpu.memref_slice %arg7[%mul3A_170] : memref<512xi32, #tpu.memory_space<vmem>> -> memref<64xi32, #tpu.memory_space<vmem>>
        %dma_start3A_176 = arith.constant 0 : i32
        %dma_start3A_177 = arith.constant 0 : i32
        %dma_start3A_178 = tpu.memref_slice %arg2[%dma_start3A_176, %dma_start3A_177] : memref<100000x128xf32, #tpu.memory_space<hbm>> -> memref<100000x128xf32, #tpu.memory_space<hbm>>
        %dma_start3A_179 = tpu.memref_slice %arg13[%select_n3A_122] : memref<2x!tpu.dma_semaphore, #tpu.memory_space<semaphore_mem>> -> memref<1x!tpu.dma_semaphore, #tpu.memory_space<semaphore_mem>>
        %dma_start3A_180 = tpu.memref_squeeze %dma_start3A_179 : memref<1x!tpu.dma_semaphore, #tpu.memory_space<semaphore_mem>> -> memref<!tpu.dma_semaphore, #tpu.memory_space<semaphore_mem>>
        tpu.enqueue_indirect_dma source(%dma_start3A_178 : memref<100000x128xf32, #tpu.memory_space<hbm>>) target(%dma_start3A_174 : memref<64x128xf32, #tpu.memory_space<vmem>>) offsets(%dma_start3A_175 : memref<64xi32, #tpu.memory_space<vmem>>) semaphore(%dma_start3A_180 : memref<!tpu.dma_semaphore, #tpu.memory_space<semaphore_mem>>)
        %mul3A_181 = arith.constant 64 : i32
        %mul3A_182 = arith.muli %add3A_168, %mul3A_181 : i32
        %dma_start3A_183 = arith.constant 0 : i32
        %dma_start3A_184 = arith.constant 0 : i32
        %dma_start3A_185 = tpu.memref_slice %arg10[%select_n3A_122, %dma_start3A_183, %dma_start3A_184] : memref<2x64x128xf32, #tpu.memory_space<vmem>> -> memref<1x64x128xf32, #tpu.memory_space<vmem>>
        %dma_start3A_186 = tpu.memref_squeeze %dma_start3A_185 : memref<1x64x128xf32, #tpu.memory_space<vmem>> -> memref<64x128xf32, #tpu.memory_space<vmem>>
        %dma_start3A_187 = tpu.memref_slice %arg8[%mul3A_182] : memref<512xi32, #tpu.memory_space<vmem>> -> memref<64xi32, #tpu.memory_space<vmem>>
        %dma_start3A_188 = arith.constant 0 : i32
        %dma_start3A_189 = arith.constant 0 : i32
        %dma_start3A_190 = tpu.memref_slice %arg3[%dma_start3A_188, %dma_start3A_189] : memref<100000x128xf32, #tpu.memory_space<hbm>> -> memref<100000x128xf32, #tpu.memory_space<hbm>>
        %dma_start3A_191 = tpu.memref_slice %arg13[%select_n3A_122] : memref<2x!tpu.dma_semaphore, #tpu.memory_space<semaphore_mem>> -> memref<1x!tpu.dma_semaphore, #tpu.memory_space<semaphore_mem>>
        %dma_start3A_192 = tpu.memref_squeeze %dma_start3A_191 : memref<1x!tpu.dma_semaphore, #tpu.memory_space<semaphore_mem>> -> memref<!tpu.dma_semaphore, #tpu.memory_space<semaphore_mem>>
        tpu.enqueue_indirect_dma source(%dma_start3A_190 : memref<100000x128xf32, #tpu.memory_space<hbm>>) target(%dma_start3A_186 : memref<64x128xf32, #tpu.memory_space<vmem>>) offsets(%dma_start3A_187 : memref<64xi32, #tpu.memory_space<vmem>>) semaphore(%dma_start3A_192 : memref<!tpu.dma_semaphore, #tpu.memory_space<semaphore_mem>>)
      } else {
      }
      %mul3A_158 = arith.constant 64 : i32
      %mul3A_159 = arith.muli %scan3A_113, %mul3A_158 : i32
      %mul3A_160 = arith.constant 64 : i32
      %mul3A_161 = arith.muli %scan3A_113, %mul3A_160 : i32
      %add3A_162 = arith.addi %mul3A_2, %mul3A_161 : i32
      %dma_start3A_163 = tpu.memref_slice %arg12[%mul3A_159] : memref<512xf32, #tpu.memory_space<vmem>> -> memref<64xf32, #tpu.memory_space<vmem>>
      %dma_start3A_164 = tpu.memref_slice %arg6[%add3A_162] : memref<16384xf32, #tpu.memory_space<hbm>> -> memref<64xf32, #tpu.memory_space<hbm>>
      %dma_start3A_165 = tpu.memref_slice %arg6[%add3A_162] : memref<16384xf32, #tpu.memory_space<hbm>> -> memref<64xf32, #tpu.memory_space<hbm>>
      %dma_start3A_166 = tpu.memref_slice %arg12[%mul3A_159] : memref<512xf32, #tpu.memory_space<vmem>> -> memref<64xf32, #tpu.memory_space<vmem>>
      tpu.enqueue_dma source(%dma_start3A_166 : memref<64xf32, #tpu.memory_space<vmem>>) target(%dma_start3A_165 : memref<64xf32, #tpu.memory_space<hbm>>) target_semaphore(%arg16 : memref<!tpu.dma_semaphore, #tpu.memory_space<semaphore_mem>>)
    }
    %scan3A_110 = arith.constant 8 : i32
    %dma_wait3A_111 = tpu.memref_slice %arg6[%mul3A_2] : memref<16384xf32, #tpu.memory_space<hbm>> -> memref<512xf32, #tpu.memory_space<hbm>>
    %dma_wait3A_112 = tpu.memref_slice %arg6[%mul3A_2] : memref<16384xf32, #tpu.memory_space<hbm>> -> memref<512xf32, #tpu.memory_space<hbm>>
    tpu.wait_dma2 semaphore(%arg16 : memref<!tpu.dma_semaphore, #tpu.memory_space<semaphore_mem>>) src(%arg12 : memref<512xf32, #tpu.memory_space<vmem>>) dst(%dma_wait3A_112 : memref<512xf32, #tpu.memory_space<hbm>>)
    return
  }
}

</mosaic_0001>

<sc_bundles>
// kernel: kernel.3.cloned.1.call-start
scs
__scs_entry_jumppad:
0x0: {  	(pc) =	sbr.rel $0x88, $3  }
0x1: {  	(tag) =	ssettag $0x0;
	lr =	simm.s32 $0x1  }
0x2: {  	[smem:$0x3F9E] =	sst lr;
	_ =	strace $0xD0000000  }
0x3: {  	_ = 	snop  }
0x4: {  	_ = 	snop  }
0x5: {  	_ = 	snop  }
0x6: {  	_ = 	snop  }
0x7: {  	_ = 	snop  }
__scs_overlays_trampoline_lowered:
0x8: {  	[smem:$0x3FAD] =	sst s0  }
0x9: {  	[smem:$0x3FAE] =	sst s1  }
0xa: {  	[smem:$0x3FAF] =	sst s2  }
0xb: {  	[smem:$0x3FB0] =	sst s3  }
0xc: {  	[smem:$0x3FB1] =	sst s4  }
0xd: {  	[smem:$0x3FB2] =	sst s5  }
0xe: {  	[smem:$0x3FB3] =	sst s6  }
0xf: {  	[smem:$0x3FB4] =	sst s7  }
0x10: {  	[smem:$0x3FB5] =	sst s8  }
0x11: {  	[smem:$0x3FB6] =	sst s9;
	s0 =	simm.s32 @!p0 $0x0  }
0x12: {  	s1 =	sld [smem:$0x3F9C];
	s0 =	simm.s32 @p0 $0x1  }
0x13: {  	[smem:$0x3FB7] =	sst s0;
	s0 =	simm.s32 @!p1 $0x0  }
0x14: {  	s2 =	sld [smem:$0x3F9B];
	s0 =	simm.s32 @p1 $0x1  }
0x15: {  	[smem:$0x3FB8] =	sst s0;
	s0 =	simm.s32 @!p2 $0x0  }
0x16: {  	s3 =	sld [smem:$0x3FDB];
	s0 =	simm.s32 @p2 $0x1  }
0x17: {  	s4 =	simm.s32 $0x1BF5;
	[smem:$0x3FBA] =	sst s0  }
0x18: {  	s0 =	sld [smem:$0x3F9D];
	_ =	swait.ge [sflag:s4], $0x0  }
0x19: {  	s7 =	sld [smem:$0x3F9E]  }
0x1a: {  	s8 =	sadd.s32 $0xFFFFE003, lr  }
0x1b: {  	s9 =	sadd.s32 $0xFFFFFEF7, lr;
	s5 =	simm.s32 $0xFFFFFFFF;
	p2 =	slt.u32 s8, $0xFFFFF086  }
0x1c: {  	p1 =	slt.u32 s9, $0xF7A;
	s5 =	simm.s32 @!p2 $0x0  }
0x1d: {  	s5 =	simm.s32 @p1 $0x1;
	p0 =	seq.s32 s7, s2  }
0x1e: {  	s7 =	smul.u32 @!p0 $0xF7A, s2;
	p2 =	seq.s32 @!p0 s5, $0x0  }
0x1f: {  	s9 =	smul.u32 $0xF7A, s1;
	s8 =	simm.s32 @!p0 $0x1BF5;
	p2 =	por !p2, p0  }
0x20: {  	[sflag:s8] =	ssyncset.s32 @!p0 $0xFFFFF086;
	s6 =	sadd.s32 @!p0 s3, s7;
	s7 =	simm.s32 @!p0 $0x108  }
0x21: {  	s3 =	sadd.s32 s3, s9;
	s6 =	sadd.s32 @!p0 $0x88, s6;
	s7 =	simm.s32 @p2 $0x1082  }
0x22: {  	[simem:s7], [sflag:s8] =	dma.local @!p0 [hbm:s6], $0xF7A  }
0x23: {  	s9 =	sor.u32 $0xD0000000, s2;
	s6 =	simm.s32 $0x108;
	_ =	swait.ge @!p0 [sflag:s8], $0x0  }
0x24: {  	s3 =	sadd.s32 $0x88, s3;
	s6 =	simm.s32 @!p1 $0x1082;
	[sflag:s4] =	ssyncset.s32 $0xFFFFF086  }
0x25: {  	[simem:s6], [sflag:s4] =	dma.local [hbm:s3], $0xF7A  }
0x26: {  	[smem:$0x3F9E] =	sst s1;
	(tag) =	ssettag s2;
	_ =	strace s9  }
0x27: {  	s1 =	sld [smem:$0x3FAE]  }
0x28: {  	s2 =	sld [smem:$0x3FAF]  }
0x29: {  	s4 =	sld [smem:$0x3FB1]  }
0x2a: {  	p0 =	seq.s32 s5, $0x0;
	s5 =	sld [smem:$0x3FB2]  }
0x2b: {  	s6 =	sld [smem:$0x3FB3]  }
0x2c: {  	s7 =	sld [smem:$0x3FB4]  }
0x2d: {  	s3 =	simm.s32 $0x108;
	s8 =	sld [smem:$0x3FB5]  }
0x2e: {  	s3 =	simm.s32 @!p0 $0x1082;
	s9 =	sld [smem:$0x3FB6]  }
0x2f: {  	lr =	sadd.s32 s0, s3;
	s0 =	sld [smem:$0x3FAD]  }
0x30: {  	s3 =	sld [smem:$0x3FB0]  }
0x31: {  	[smem:$0x3FB9] =	sst s10  }
0x32: {  	s10 =	sld [smem:$0x3FB7];
	_ =	sdelay $0x3  }
0x33: {  	p0 =	seq.s32 s10, $0x1;
	s10 =	sld [smem:$0x3FB9];
	_ =	sdelay $0x3  }
0x34: {  	[smem:$0x3FB9] =	sst s10  }
0x35: {  	s10 =	sld [smem:$0x3FB8];
	_ =	sdelay $0x3  }
0x36: {  	p1 =	seq.s32 s10, $0x1;
	s10 =	sld [smem:$0x3FB9];
	_ =	sdelay $0x3  }
0x37: {  	[smem:$0x3FB9] =	sst s10  }
0x38: {  	s10 =	sld [smem:$0x3FBA]  }
0x39: {  	_ = 	snop;
	(pc) =	sbr.ind lr, $3  }
0x3a: {  	_ = 	snop  }
0x3b: {  	_ = 	snop  }
0x3c: {  	p2 =	seq.s32 s10, $0x1;
	s10 =	sld [smem:$0x3FB9]  }
0x3d: {  	_ =	shalt  }
0x3e: {  	_ =	shalt  }
0x3f: {  	_ =	shalt  }
0x40: {  	_ =	shalt  }
0x41: {  	_ =	shalt  }
0x42: {  	_ =	shalt  }
0x43: {  	_ =	shalt  }
0x44: {  	_ =	shalt  }
0x45: {  	_ =	shalt  }
0x46: {  	_ =	shalt  }
0x47: {  	_ =	shalt  }
0x48: {  	_ =	shalt  }
0x49: {  	_ =	shalt  }
0x4a: {  	_ =	shalt  }
0x4b: {  	_ =	shalt  }
0x4c: {  	_ =	shalt  }
0x4d: {  	_ =	shalt  }
0x4e: {  	_ =	shalt  }
0x4f: {  	_ =	shalt  }
0x50: {  	_ =	shalt  }
0x51: {  	_ =	shalt  }
0x52: {  	_ =	shalt  }
0x53: {  	_ =	shalt  }
0x54: {  	_ =	shalt  }
0x55: {  	_ =	shalt  }
0x56: {  	_ =	shalt  }
0x57: {  	_ =	shalt  }
0x58: {  	_ =	shalt  }
0x59: {  	_ =	shalt  }
0x5a: {  	_ =	shalt  }
0x5b: {  	_ =	shalt  }
0x5c: {  	_ =	shalt  }
0x5d: {  	_ =	shalt  }
0x5e: {  	_ =	shalt  }
0x5f: {  	_ =	shalt  }
0x60: {  	_ =	shalt  }
0x61: {  	_ =	shalt  }
0x62: {  	_ =	shalt  }
0x63: {  	_ =	shalt  }
0x64: {  	_ =	shalt  }
0x65: {  	_ =	shalt  }
0x66: {  	_ =	shalt  }
0x67: {  	_ =	shalt  }
0x68: {  	_ =	shalt  }
0x69: {  	_ =	shalt  }
0x6a: {  	_ =	shalt  }
0x6b: {  	_ =	shalt  }
0x6c: {  	_ =	shalt  }
0x6d: {  	_ =	shalt  }
0x6e: {  	_ =	shalt  }
0x6f: {  	_ =	shalt  }
0x70: {  	_ =	shalt  }
0x71: {  	_ =	shalt  }
0x72: {  	_ =	shalt  }
0x73: {  	_ =	shalt  }
0x74: {  	_ =	shalt  }
0x75: {  	_ =	shalt  }
0x76: {  	_ =	shalt  }
0x77: {  	_ =	shalt  }
0x78: {  	_ =	shalt  }
0x79: {  	_ =	shalt  }
0x7a: {  	_ =	shalt  }
0x7b: {  	_ =	shalt  }
0x7c: {  	_ =	shalt  }
0x7d: {  	_ =	shalt  }
0x7e: {  	_ =	shalt  }
0x7f: {  	_ =	shalt  }
0x80: {  	_ =	shalt  }
0x81: {  	_ =	shalt  }
0x82: {  	_ =	shalt  }
0x83: {  	_ =	shalt  }
0x84: {  	_ =	shalt  }
0x85: {  	_ =	shalt  }
0x86: {  	_ =	shalt  }
0x87: {  	_ =	shalt  }
.Lfunc_end0:
.L_simem_size_0:
called_computation_lowered:
.L_overlay_start_0:
0x88: {  	s2 =	sld [smem:$0x3FD9]  }
0x89: {  	s3 =	sld [smem:$0x3FFE];
	_ =	sdelay $0x1  }
0x8a: {  	s1 =	srdreg.scid  }
0x8b: {  	s0 =	sand.u32 $0x1, s1  }
0x8c: {  	s17 =	sshll.u32 s0, $0xA;
	s2 =	sadd.s32 s3, s2  }
0x8d: {  	s2 =	sadd.s32 s2, s17  }
0x8e: {  	[smem:$0x3FC5] =	sst s2  }
0x8f: {  	_ = 	snop  }
0x90: {  	s2 =	sld [smem:$0x3FC8]  }
0x91: {  	s18 =	sld [smem:$0x3FC7]  }
0x92: {  	s4 =	sld [smem:$0x3FD0];
	(tm) =	ssettm $0x1  }
0x93: {  	s5 =	sld [smem:$0x3FFB];
	_ =	sdelay $0x3  }
0x94: {  	_ =	strace s5  }
0x95: {  	s5 =	sld [smem:$0x3FFC];
	_ =	sdelay $0x3  }
0x96: {  	_ =	strace s5  }
0x97: {  	s5 =	sld [smem:$0x3FFD];
	_ =	sdelay $0x3  }
0x98: {  	_ =	strace s5  }
0x99: {  	_ =	strace $0x8FFFFFFF  }
0x9a: {  	s19 =	sld [smem:$0x3FDB];
	_ =	sdelay $0x1  }
0x9b: {  	s6 =	simm.s32 $_scs_section_size  }
0x9c: {  	s7 =	simm.s32 $_size__tile_overlayer_lowered;
	s8 =	simm.s32 $_tile_overlayer_lowered  }
0x9d: {  	s22 =	simm.s32 $0x1BFF;
	s21 =	sshll.u32 s8, $0x1;
	s5 =	sadd.s32 s6, s19  }
0x9e: {  	s9 =	simm.s32 $0x0;
	s20 =	sshll.u32 s7, $0x1;
	s7 =	sadd.s32 s21, s5  }
0x9f: {  	[timem:s9], [sflag:s22] =	dma.local [hbm:s7], s20  }
0xa0: {  	_ =	swait.ge [sflag:s22], s20  }
0xa1: {  	s6 =	ssub.s32 $0x0, s20;
	[sflag:s22] =	ssyncset.done $0x0  }
0xa2: {  	[sflag:s22] =	ssyncadd.s32 s6;
	_ =	sdelay $0x1  }
0xa3: {  	s23 =	simm.s32 $0x1B8B  }
0xa4: {  	_ =	swait.ge [sflag:s23], $0x1  }
0xa5: {  	[sflag:s23] =	ssyncset.done $0x0  }
0xa6: {  	s25 =	simm.s32 $0x1B8E;
	s24 =	sld [smem:$0x3FFE];
	[sflag:s23] =	ssyncadd.s32 $0xFFFFFFFF  }
0xa7: {  	s26 =	simm.s32 $execute0_lowered;
	[smem:$0x3FD2] =	sst s25  }
0xa8: {  	s7 =	sshll.u32 s26, $0x1;
	_ =	strace $0x80000046;
	[dreg:$0x1] =	wrdreg $0xFFFFFFFF  }
0xa9: {  	s28 =	simm.s32 $_size_execute0_lowered;
	s5 =	sadd.s32 s5, s7;
	[dreg:$0x0] =	wrdreg $0x0  }
0xaa: {  	s7 =	sshll.u32 s28, $0x1;
	[dreg:$0x2] =	wrdreg s5  }
0xab: {  	[dreg:$0x3] =	wrdreg s7  }
0xac: {  	[dreg:$0x4] =	wrdreg $0xC0  }
0xad: {  	_ =	task [dreg:s9], $0x5FFFF  }
0xae: {  	[dreg:$0x1] =	wrdreg $0xFFFFFFFF  }
0xaf: {  	[dreg:$0x0] =	wrdreg $0x60  }
0xb0: {  	[dreg:$0x2] =	wrdreg s2  }
0xb1: {  	[dreg:$0x3] =	wrdreg s18  }
0xb2: {  	[dreg:$0x4] =	wrdreg s24  }
0xb3: {  	[dreg:$0x5] =	wrdreg s4  }
0xb4: {  	[dreg:$0x6] =	wrdreg $0x9  }
0xb5: {  	_ =	task.clear_ibuf [dreg:s9], $0x7FFFF;
	_ =	strace $0x90000046  }
0xb6: {  	s29 =	simm.s32 $0x9;
	_ =	strace $0x80000048  }
0xb7: {  	_ =	swait.ge [sflag:s29], $0x1  }
0xb8: {  	[sflag:s29] =	ssyncadd.s32 $0xFFFFFFFF  }
0xb9: {  	_ =	strace $0x90000048  }
0xba: {  	_ =	sfence  }
0xbb: {  	s30 =	sld [smem:$0x0];
	_ =	sdelay $0x2  }
0xbc: {  	s31 =	sshll.u32 s1, $0xD;
	s1 =	sshrl.u32 s1, $0x2  }
0xbd: {  	s3 =	sand.u32 $0x4000, s31;
	s1 =	sadd.s32 s1, s30  }
0xbe: {  	s0 =	sor.u32 s3, s0;
	s1 =	sshll.u32 s1, $0x11  }
0xbf: {  	s0 =	sor.u32 s1, s0  }
0xc0: {  	s0 =	sadd.s32 $0x8F2B, s0  }
0xc1: {  	[sflag:s0] =	ssyncadd.remote.s32 $0x1  }
0xc2: {  	_ =	sfence.sel $0xFFFF  }
0xc3: {  	[dreg:$0x0] =	wrdreg $0xFFFFFFFF;
	(pc) =	sbr.abs _section_cstart, $3  }
0xc4: {  	[dreg:$0x1] =	wrdreg $0xFFFFFFFF  }
0xc5: {  	_ =	task.clear_ibuf [dreg:s9], $0x2FFFF;
	_ =	strace $0x9FFFFFFF  }
0xc6: {  	(tm) =	ssettm $0x7FFFFFFF  }
0xc7: {  	_ =	shalt  }
tec
execute0_lowered:
.L_overlay_start_1:
0x0: {  	(tag) =	ssettag $0x1  }
0x1: {  	s1 =	rddreg [dreg:$0x0]  }
0x2: {  	s2 =	rddreg [dreg:$0x1]  }
0x3: {  	s0 =	rddreg [dreg:$0x2]  }
0x4: {  	s3 =	rddreg [dreg:$0x3]  }
0x5: {  	s5 =	simm.s32 $0x0;
	s4 =	srdreg.scid;
	s6 =	stileid.u32  }
0x6: {  	s12 =	simm.s32 $0x200;
	s13 =	simm.s32 $0x3;
	s14 =	simm.s32 $0x4  }
0x7: {  	v0 =	vlaneseq.u32;
	s15 =	simm.s32 $0x40;
	s21 =	simm.s32 $0x80;
	s22 =	simm.s32 $0x280  }
0x8: {  	s23 =	simm.s32 $0x8400;
	s24 =	simm.s32 $0x5;
	s25 =	simm.s32 $0x0;
	v0 =	vmul.u32 $0x80, v0  }
0x9: {  	[smem:$0x7FF] =	sst s5;
	s4 =	sand.u32 $0x1, s4;
	s6 =	sshll.u32 s6, $0xA  }
0xa: {  	s9 =	sadd.s32 $0xE00, s0;
	s7 =	sshll.u32 s4, $0x9;
	s4 =	ssub.s32 $0x2, s4;
	v1 =	vor.u32 $0x1, v0;
	v2 =	vor.u32 $0x2, v0;
	v3 =	vor.u32 $0x3, v0  }
0xb: {  	s0 =	sadd.s32 $0x600, s0;
	s6 =	sor.u32 s7, s6;
	s31 =	sshrl.u32 s4, $0x1;
	v4 =	vor.u32 $0x4, v0;
	v5 =	vor.u32 $0x5, v0;
	v6 =	vor.u32 $0x6, v0  }
0xc: {  	_ =	strace $0x80000047;
	v7 =	vor.u32 $0x7, v0;
	v8 =	vor.u32 $0x8, v0;
	v9 =	vor.u32 $0x9, v0;
	s8 =	sshrl.u32 s6, $0x3;
	s4 =	ssub.s32 s4, s31  }
0xd: {  	v10 =	vor.u32 $0xA, v0;
	v11 =	vor.u32 $0xB, v0;
	v12 =	vor.u32 $0xC, v0;
	s7 =	sadd.s32 s9, s8;
	s10 =	sor.u32 $0x10, s8;
	s8 =	sadd.s32 s0, s8  }
0xe: {  	v13 =	vor.u32 $0xD, v0;
	v14 =	vor.u32 $0xE, v0;
	v15 =	vor.u32 $0xF, v0;
	s11 =	smax.u32 s4, $0x1;
	s9 =	sadd.s32 s9, s10;
	s10 =	sadd.s32 s0, s10  }
.LBB2_1:
0xf: {  	[tilespmem:s5], [sflag:$0x3] =	stream.linear.gather [hbm4b:s7+s5], $0x80, $0x38;
	[tilespmem:$0x8E00] =	vst v63  }
0x10: {  	_ = 	snop  }
0x11: {  	[tilespmem:s12], [sflag:$0x4] =	stream.linear.gather [hbm4b:s8+s5], $0x80, $0x38;
	[tilespmem:$0x8E00] =	vst v63  }
0x12: {  	_ =	swait.ge [sflag:s13], $0x80  }
0x13: {  	[sflag:s13] =	ssyncset.done $0x0  }
0x14: {  	[sflag:s13] =	ssyncadd.s32 $0xFFFFFF80  }
0x15: {  	_ =	swait.ge [sflag:s14], $0x80  }
0x16: {  	[sflag:s14] =	ssyncset.done $0x0  }
0x17: {  	s0 =	simm.s32 $0x400;
	[sflag:s14] =	ssyncadd.s32 $0xFFFFFF80  }
0x18: {  	[tilespmem:s0], [sflag:$0x1] =	stream.indirect.gather [hbm4b:s1+s15], $0x80, s5, s15, $0xb8;
	[tilespmem:$0x8E00] =	vst v63  }
0x19: {  	s29 =	simm.s32 $0x4400  }
0x1a: {  	[tilespmem:s29], [sflag:$0x1] =	stream.indirect.gather [hbm4b:s2+s15], $0x80, s12, s15, $0xb8;
	[tilespmem:$0x8E00] =	vst v63  }
0x1b: {  	s30 =	simm.s32 $0x2400  }
0x1c: {  	[tilespmem:s30], [sflag:$0x2] =	stream.indirect.gather [hbm4b:s1+s15], $0x80, s15, s15, $0xb8;
	[tilespmem:$0x8E00] =	vst v63  }
0x1d: {  	s31 =	simm.s32 $0x240;
	s4 =	simm.s32 $0x6400  }
0x1e: {  	[tilespmem:s4], [sflag:$0x2] =	stream.indirect.gather [hbm4b:s2+s15], $0x80, s31, s15, $0xb8;
	[tilespmem:$0x8E00] =	vst v63  }
0x1f: {  	_ = 	snop  }
0x20: {  	[tilespmem:s21], [sflag:$0x3] =	stream.linear.gather [hbm4b:s9+s5], $0x180, $0x38;
	[tilespmem:$0x8E00] =	vst v63  }
0x21: {  	_ = 	snop  }
0x22: {  	[tilespmem:s22], [sflag:$0x4] =	stream.linear.gather [hbm4b:s10+s5], $0x180, $0x38;
	[tilespmem:$0x8E00] =	vst v63  }
0x23: {  	_ =	swait.ge [sflag:s13], $0x180  }
0x24: {  	[sflag:s13] =	ssyncset.done $0x0  }
0x25: {  	[sflag:s13] =	ssyncadd.s32 $0xFFFFFE80  }
0x26: {  	_ =	swait.ge [sflag:s14], $0x180  }
0x27: {  	[sflag:s14] =	ssyncset.done $0x0  }
0x28: {  	p0 =	por $0x0, $0x0;
	s26 =	simm.s32 $0x0;
	[sflag:s14] =	ssyncadd.s32 $0xFFFFFE80  }
.LBB2_2:
0x29: {  	s0 =	sand.u32 $0x1, s26  }
0x2a: {  	s28 =	sadd.s32 $0x1, s0  }
0x2b: {  	_ =	swait.ge [sflag:s28], $0x2000  }
0x2c: {  	s4 =	simm.s32 $0x1;
	s29 =	sshll.u32 s26, $0x6;
	[sflag:s28] =	ssyncset.done $0x0  }
0x2d: {  	s4 =	simm.s32 @!p0 $0x0;
	s16 =	sand.u32 $0x3FFFFFC0, s29;
	[sflag:s28] =	ssyncadd.s32 $0xFFFFE000  }
0x2e: {  	s31 =	sshll.u32 s0, $0xD;
	s4 =	sshll.u32 s4, $0xD;
	_ =	swait.ge [sflag:s28], $0x2000  }
0x2f: {  	s16 =	sadd.s32 $0x8C00, s16;
	s30 =	sor.u32 $0x480, s4;
	[sflag:s28] =	ssyncset.done $0x0  }
0x30: {  	s20 =	sor.u32 $0x4480, s4;
	s4 =	simm.s32 $0x0;
	v16 =	vmov s16;
	[sflag:s28] =	ssyncadd.s32 $0xFFFFE000  }
.LBB2_3:
0x31: {  	v17 =	vld [tilespmem:s30+$0x0]  }
0x32: {  	v18 =	vld [tilespmem:s20+$0x0]  }
0x33: {  	v19 =	vld [tilespmem:s30+$0x10]  }
0x34: {  	v20 =	vld [tilespmem:s20+$0x10]  }
0x35: {  	v21 =	vld [tilespmem:s30+$0x20]  }
0x36: {  	v22 =	vld [tilespmem:s20+$0x20]  }
0x37: {  	v23 =	vld [tilespmem:s30+$0x30]  }
0x38: {  	v24 =	vld [tilespmem:s20+$0x30]  }
0x39: {  	v25 =	vld [tilespmem:s30+$0x40]  }
0x3a: {  	v26 =	vld [tilespmem:s20+$0x40]  }
0x3b: {  	v27 =	vld [tilespmem:s30+$0x50]  }
0x3c: {  	v28 =	vld [tilespmem:s20+$0x50]  }
0x3d: {  	v29 =	vld [tilespmem:s30+$0x60]  }
0x3e: {  	v30 =	vld [tilespmem:s20+$0x60]  }
0x3f: {  	v17 =	vmul.f32 v18, v17;
	v18 =	vmul.f32 v20, v19;
	v19 =	vld [tilespmem:s30+$0x70]  }
0x40: {  	v20 =	vld [tilespmem:s20+$0x70]  }
0x41: {  	v17 =	vadd.f32 v18, v17;
	v18 =	vmul.f32 v22, v21;
	v21 =	vld [tilespmem:s20+$0xFFFFFF80]  }
0x42: {  	v22 =	vld [tilespmem:s30+$0xFFFFFF90]  }
0x43: {  	v17 =	vadd.f32 v18, v17;
	v18 =	vmul.f32 v24, v23;
	v23 =	vld [tilespmem:s20+$0xFFFFFF90]  }
0x44: {  	v24 =	vld [tilespmem:s30+$0xFFFFFF80]  }
0x45: {  	v17 =	vadd.f32 v18, v17;
	v18 =	vmul.f32 v26, v25;
	v25 =	vld [tilespmem:s30+$0xFFFFFFA0]  }
0x46: {  	v26 =	vld [tilespmem:s20+$0xFFFFFFA0]  }
0x47: {  	v62 =	vld [tilespmem:s20+$0xFFFFFFB0];
	v17 =	vadd.f32 v18, v17;
	v18 =	vmul.f32 v28, v27  }
0x48: {  	v27 =	vld [tilespmem:s30+$0xFFFFFFB0];
	v22 =	vmul.f32 v23, v22  }
0x49: {  	v63 =	vld [tilespmem:s30+$0xFFFFFFC0];
	v21 =	vmul.f32 v21, v24;
	v17 =	vadd.f32 v18, v17;
	v18 =	vmul.f32 v30, v29  }
0x4a: {  	v19 =	vmul.f32 v20, v19;
	v24 =	vld [tilespmem:s20+$0xFFFFFFC0]  }
0x4b: {  	v20 =	vld [tilespmem:s20+$0xFFFFFFD0];
	v21 =	vadd.f32 v22, v21;
	v22 =	vmul.f32 v26, v25;
	v23 =	vadd.f32 v18, v17  }
0x4c: {  	v17 =	vld [tilespmem:s30+$0xFFFFFFD0]  }
0x4d: {  	v18 =	vld [tilespmem:s30+$0xFFFFFFE0];
	v22 =	vadd.f32 v22, v21;
	v25 =	vmul.f32 v62, v27;
	v23 =	vadd.f32 v19, v23  }
0x4e: {  	s17 =	simm.s32 $0x8480;
	v21 =	vld [tilespmem:s20+$0xFFFFFFE0]  }
0x4f: {  	s16 =	sshll.u32 s4, $0x4;
	v19 =	vld [tilespmem:s30+$0xFFFFFFF0];
	v24 =	vmul.f32 v24, v63;
	[tilespmem:s17+$0x0] =	vst v23;
	v23 =	vadd.f32 v25, v22  }
0x50: {  	s18 =	simm.s32 $0x0;
	s19 =	sadd.s32 $0x100, s30;
	s0 =	smov.u32 s20;
	v22 =	vld [tilespmem:s20+$0xFFFFFFF0]  }
.LBB2_4:
0x51: {  	v25 =	vld [tilespmem:s19+$0x0];
	v23 =	vadd.f32 v24, v23;
	v17 =	vmul.f32 v20, v17;
	s0 =	sadd.s32 $0x100, s0  }
0x52: {  	v20 =	vld [tilespmem:s0+$0x0]  }
0x53: {  	v24 =	vld [tilespmem:s19+$0x10];
	v17 =	vadd.f32 v17, v23;
	v18 =	vmul.f32 v21, v18  }
0x54: {  	s18 =	sadd.s32 $0x2, s18;
	v21 =	vld [tilespmem:s0+$0x10]  }
0x55: {  	p1 =	slt.u32 s18, $0xE;
	v23 =	vld [tilespmem:s19+$0x20];
	v17 =	vadd.f32 v18, v17;
	v18 =	vmul.f32 v22, v19  }
0x56: {  	v19 =	vld [tilespmem:s0+$0x20]  }
0x57: {  	v22 =	vld [tilespmem:s19+$0x30];
	v17 =	vadd.f32 v18, v17  }
0x58: {  	v18 =	vld [tilespmem:s0+$0x30]  }
0x59: {  	v20 =	vmul.f32 v20, v25;
	v21 =	vmul.f32 v21, v24;
	v24 =	vld [tilespmem:s19+$0x40];
	[tilespmem:s17+$0xFFFFFF80] =	vst v17  }
0x5a: {  	v17 =	vld [tilespmem:s0+$0x40]  }
0x5b: {  	v20 =	vadd.f32 v21, v20;
	v19 =	vmul.f32 v19, v23;
	v21 =	vld [tilespmem:s19+$0x50]  }
0x5c: {  	v23 =	vld [tilespmem:s0+$0x50]  }
0x5d: {  	v19 =	vadd.f32 v19, v20;
	v18 =	vmul.f32 v18, v22;
	v20 =	vld [tilespmem:s19+$0x60]  }
0x5e: {  	v22 =	vld [tilespmem:s0+$0x60]  }
0x5f: {  	v18 =	vadd.f32 v18, v19;
	v17 =	vmul.f32 v17, v24;
	v19 =	vld [tilespmem:s19+$0x70]  }
0x60: {  	v24 =	vld [tilespmem:s0+$0x70]  }
0x61: {  	v25 =	vld [tilespmem:s0+$0xFFFFFF80];
	v17 =	vadd.f32 v17, v18;
	v18 =	vmul.f32 v23, v21  }
0x62: {  	v21 =	vld [tilespmem:s19+$0xFFFFFF90]  }
0x63: {  	v23 =	vld [tilespmem:s0+$0xFFFFFF90];
	v17 =	vadd.f32 v18, v17;
	v18 =	vmul.f32 v22, v20  }
0x64: {  	v20 =	vld [tilespmem:s19+$0xFFFFFF80]  }
0x65: {  	v22 =	vld [tilespmem:s19+$0xFFFFFFA0];
	v17 =	vadd.f32 v18, v17;
	v18 =	vmul.f32 v24, v19  }
0x66: {  	v19 =	vld [tilespmem:s0+$0xFFFFFFA0]  }
0x67: {  	v24 =	vld [tilespmem:s19+$0xFFFFFFB0];
	v17 =	vadd.f32 v18, v17  }
0x68: {  	s17 =	sadd.s32 $0x100, s17;
	v18 =	vmul.f32 v23, v21;
	v21 =	vld [tilespmem:s0+$0xFFFFFFB0]  }
0x69: {  	v20 =	vmul.f32 v25, v20;
	v25 =	vld [tilespmem:s19+$0xFFFFFFC0];
	[tilespmem:s17+$0x0] =	vst v17  }
0x6a: {  	v26 =	vld [tilespmem:s0+$0xFFFFFFC0]  }
0x6b: {  	v18 =	vadd.f32 v18, v20;
	v19 =	vmul.f32 v19, v22;
	v17 =	vld [tilespmem:s19+$0xFFFFFFD0]  }
.Ltmp0:
0x6c: {  	v20 =	vld [tilespmem:s0+$0xFFFFFFD0];
	(pc) =	sbr.rel @p1 .LBB2_4-.Ltmp0, $4  }
0x6d: {  	v19 =	vadd.f32 v19, v18;
	v22 =	vmul.f32 v21, v24;
	v18 =	vld [tilespmem:s19+$0xFFFFFFE0]  }
0x6e: {  	v21 =	vld [tilespmem:s0+$0xFFFFFFE0]  }
0x6f: {  	v23 =	vadd.f32 v22, v19;
	v24 =	vmul.f32 v26, v25;
	v19 =	vld [tilespmem:s19+$0xFFFFFFF0]  }
0x70: {  	s19 =	sadd.s32 $0x100, s19;
	v22 =	vld [tilespmem:s0+$0xFFFFFFF0]  }
0x71: {  	v23 =	vadd.f32 v24, v23;
	v17 =	vmul.f32 v20, v17;
	_ =	sdelay $0x1  }
0x72: {  	v17 =	vadd.f32 v17, v23;
	v18 =	vmul.f32 v21, v18;
	_ =	sdelay $0x1  }
0x73: {  	v17 =	vadd.f32 v18, v17;
	v18 =	vmul.f32 v22, v19;
	_ =	sdelay $0x1  }
0x74: {  	v17 =	vadd.f32 v18, v17;
	_ =	sdelay $0x1  }
0x75: {  	[tilespmem:s17+$0xFFFFFF80] =	vst v17  }
0x76: {  	v17 =	vld.idx.msk [tilespmem:v0+s23+$0x0], $0xffff  }
0x77: {  	v18 =	vld.idx.msk [tilespmem:v1+s23+$0x0], $0xffff  }
0x78: {  	v19 =	vld.idx.msk [tilespmem:v2+s23+$0x0], $0xffff  }
0x79: {  	v53 =	vld.idx.msk [tilespmem:v3+s23+$0x0], $0xffff  }
0x7a: {  	v54 =	vld.idx.msk [tilespmem:v4+s23+$0x0], $0xffff  }
0x7b: {  	v55 =	vld.idx.msk [tilespmem:v5+s23+$0x0], $0xffff  }
0x7c: {  	v56 =	vld.idx.msk [tilespmem:v6+s23+$0x0], $0xffff  }
0x7d: {  	v57 =	vld.idx.msk [tilespmem:v7+s23+$0x0], $0xffff  }
0x7e: {  	v25 =	vld.idx.msk [tilespmem:v8+s23+$0x0], $0xffff  }
0x7f: {  	v26 =	vld.idx.msk [tilespmem:v9+s23+$0x0], $0xffff  }
0x80: {  	v27 =	vld.idx.msk [tilespmem:v10+s23+$0x0], $0xffff  }
0x81: {  	v28 =	vld.idx.msk [tilespmem:v11+s23+$0x0], $0xffff  }
0x82: {  	v29 =	vld.idx.msk [tilespmem:v12+s23+$0x0], $0xffff  }
0x83: {  	v30 =	vld.idx.msk [tilespmem:v13+s23+$0x0], $0xffff  }
0x84: {  	v31 =	vld.idx.msk [tilespmem:v14+s23+$0x0], $0xffff  }
0x85: {  	v32 =	vld.idx.msk [tilespmem:v15+s23+$0x0], $0xffff;
	_ =	sdelay $0x1  }
0x86: {  	v17 =	vadd.f32 v18, v17;
	v18 =	vadd.f32 v53, v19  }
0x87: {  	v19 =	vadd.f32 v55, v54;
	v58 =	vadd.f32 v57, v56  }
0x88: {  	v59 =	vadd.f32 v26, v25;
	v60 =	vadd.f32 v28, v27  }
0x89: {  	v61 =	vadd.f32 v30, v29;
	v62 =	vadd.f32 v32, v31  }
0x8a: {  	v17 =	vadd.f32 v18, v17;
	v18 =	vadd.f32 v58, v19  }
0x8b: {  	s4 =	sadd.s32 $0x1, s4;
	v19 =	vadd.f32 v60, v59;
	v63 =	vadd.f32 v62, v61  }
0x8c: {  	p1 =	sne.s32 s4, $0x4  }
.Ltmp1:
0x8d: {  	v17 =	vadd.f32 v18, v17;
	v18 =	vadd.f32 v63, v19;
	(pc) =	sbr.rel @p1 .LBB2_3-.Ltmp1, $3  }
0x8e: {  	_ = 	snop  }
0x8f: {  	v17 =	vadd.f32 v18, v17;
	_ =	sdelay $0x1  }
0x90: {  	s30 =	sadd.s32 $0x800, s30;
	s20 =	sadd.s32 $0x800, s20;
	[tilespmem:v16+s16+$0x0 ss:$0x1] =	vst.idx.msk $0xffff, v17  }
0x91: {  	p1 =	sgt.u32 s26, $0x5  }
0x92: {  	s0 =	sadd.s32 @!p1 $0x80, s29;
	s4 =	sadd.s32 @!p1 $0x400, s31;
	s16 =	simm.s32 @!p1 $0x40  }
0x93: {  	[tilespmem:s4], [sflag:s28] =	stream.indirect.gather @!p1 [hbm4b:s1+s16], $0x80, s0, s16, $0xb8;
	[tilespmem:$0x8E00] =	vst v63  }
0x94: {  	s26 =	sadd.s32 $0x1, s26;
	s0 =	sadd.s32 @!p1 $0x4400, s31;
	s4 =	sadd.s32 @!p1 $0x280, s29  }
0x95: {  	[tilespmem:s0], [sflag:s28] =	stream.indirect.gather @!p1 [hbm4b:s2+s16], $0x80, s4, s16, $0xb8;
	[tilespmem:$0x8E00] =	vst v63  }
0x96: {  	p1 =	sne.s32 s26, $0x8  }
.Ltmp2:
0x97: {  	_ = 	snop;
	(pc) =	sbr.rel @p1 .LBB2_2-.Ltmp2, $4  }
0x98: {  	s30 =	sor.u32 s6, s29  }
0x99: {  	s0 =	sshrl.u32 s30, $0x3  }
0x9a: {  	p0 =	por !p0, !p0;
	s31 =	sadd.s32 $0x8C00, s29;
	s0 =	sadd.s32 s3, s0  }
0x9b: {  	[hbm4b:s0+s5] =	stream.linear.scatter [tilespmem:s31], [sflag:$0x5], $0x40, $0x38;
	[tilespmem:$0x8E00] =	vst v63  }
0x9c: {  	s25 =	sadd.s32 $0x1, s25  }
0x9d: {  	p0 =	sne.s32 s25, s11  }
.Ltmp3:
0x9e: {  	_ = 	snop;
	(pc) =	sbr.rel @p0 .LBB2_1-.Ltmp3, $4  }
0x9f: {  	_ = 	snop  }
0xa0: {  	_ =	swait.ge [sflag:s24], $0x200  }
0xa1: {  	[sflag:s24] =	ssyncset.done $0x0  }
0xa2: {  	[sflag:s24] =	ssyncadd.s32 $0xFFFFFE00  }
0xa3: {  	_ =	sfence.sel $0x180000  }
0xa4: {  	[bflag:$0x0] =	sbarrier.arrive $0xFFFF  }
0xa5: {  	_ =	strace $0x90000047  }
0xa6: {  	s0 =	stileid.u32;
	[bflag:$0x2] =	sbarrier.arrive $0xFFFF  }
0xa7: {  	p0 =	sne.s32 s0, $0x0;
	s0 =	rddreg [dreg:$0x4]  }
0xa8: {  	s0 =	sadd.s32 @!p0 $0x100000, s0  }
0xa9: {  	[sflag:s0] =	ssyncadd.tile.s32 @!p0 $0x1;
	_ =	shalt  }
.Lfunc_end2:
_tile_overlayer_lowered:
.L_overlay_start_2:
0xaa: {  	(tag) =	ssettag $0x2  }
0xab: {  	s0 =	rddreg [dreg:$0x0];
	s2 =	stileid.u32  }
0xac: {  	s1 =	rddreg [dreg:$0x1];
	p0 =	sne.s32 s2, $0x0  }
0xad: {  	s3 =	rddreg [dreg:$0x2];
	[bflag:$0x3] =	sbarrier.arrive $0xFFFF;
	s2 =	simm.s32 @!p0 $0x1C06  }
0xae: {  	[timem:s3], [sflag:s2] =	dma.local @!p0 [hbm:s0], s1  }
0xaf: {  	s0 =	simm.s32 @!p0 $0x6  }
0xb0: {  	_ =	swait.ge @!p0 [sflag:s0], s1  }
0xb1: {  	s1 =	ssub.s32 @!p0 $0x0, s1;
	[sflag:s0] =	ssyncset.done @!p0 $0x0  }
0xb2: {  	[sflag:s0] =	ssyncadd.s32 @!p0 s1  }
0xb3: {  	[bflag:$0x3] =	sbarrier.arrive $0xFFFF  }
0xb4: {  	_ =	shalt  }

</sc_bundles>
